<compile_context>
chip_gen: v7x
topology: tpu7x:2x2x1
jax: 0.10.2.dev20260603
libtpu: 0.0.44.dev20260713+nightly
codegen_flags: <defaults>
</compile_context>

<pallas_src>
import functools

import jax
import jax.numpy as jnp
from jax import lax
from jax.experimental import pallas as pl
from jax.experimental.pallas import tpu as pltpu
from jax.experimental.pallas import tpu_sc as plsc

_NUM_CODES = 8192
_CODE_DIM = 256
_M = 9216


_ZBLK = 1536


_LANES = 128
_NCHUNKS = _NUM_CODES // _LANES


def _argmin_body(z_ref, cb_ref, pw_ref, pb_ref, idx_ref, qc_ref, cn_ref):
    @pl.when(pl.program_id(0) == 0)
    def _():
        qc = lax.dot_general(
            cb_ref[...], pw_ref[...], (((1,), (1,)), ((), ())),
            preferred_element_type=jnp.float32) + pb_ref[...]
        qc_ref[...] = qc
        cn_ref[...] = jnp.sum(qc * qc, axis=1, keepdims=True).reshape(
            1, _NUM_CODES)

    z = z_ref[...]
    s2 = lax.dot_general(
        z * -2.0, qc_ref[...], (((1,), (1,)), ((), ())),
        preferred_element_type=jnp.float32)
    zn = jnp.sum(z * z, axis=1, keepdims=True)
    cn = cn_ref[...]
    m_acc = jnp.full((_ZBLK, _LANES), jnp.float32(3.0e38))
    a_acc = jnp.zeros((_ZBLK, _LANES), jnp.int32)
    for g in range(_NCHUNKS):
        dg = (zn + cn[:, g * _LANES:(g + 1) * _LANES]) \
            + s2[:, g * _LANES:(g + 1) * _LANES]
        upd = dg < m_acc
        a_acc = jnp.where(upd, jnp.int32(g), a_acc)
        m_acc = jnp.minimum(m_acc, dg)
    bmin = jnp.min(m_acc, axis=1, keepdims=True)
    lane = lax.broadcasted_iota(jnp.int32, (_ZBLK, _LANES), 1)
    j = a_acc * _LANES + lane
    idx_ref[...] = jnp.min(
        jnp.where(m_acc == bmin, j, jnp.int32(1 << 30)),
        axis=1, keepdims=True)


def _argmin_codes(z2d, codebook_w, proj_w, proj_b2d):
    return pl.pallas_call(
        _argmin_body,
        grid=(_M // _ZBLK,),
        in_specs=[
            pl.BlockSpec((_ZBLK, _CODE_DIM), lambda i: (i, 0)),
            pl.BlockSpec((_NUM_CODES, _CODE_DIM), lambda i: (0, 0)),
            pl.BlockSpec((_CODE_DIM, _CODE_DIM), lambda i: (0, 0)),
            pl.BlockSpec((1, _CODE_DIM), lambda i: (0, 0)),
        ],
        out_specs=[
            pl.BlockSpec((_ZBLK, 1), lambda i: (i, 0)),
            pl.BlockSpec((_NUM_CODES, _CODE_DIM), lambda i: (0, 0)),
        ],
        out_shape=[
            jax.ShapeDtypeStruct((_M, 1), jnp.int32),
            jax.ShapeDtypeStruct((_NUM_CODES, _CODE_DIM), jnp.float32),
        ],
        scratch_shapes=[pltpu.VMEM((1, _NUM_CODES), jnp.float32)],
    )(z2d, codebook_w, proj_w, proj_b2d)



_NC, _NS = 2, 16
_NW = _NC * _NS
_BPW = _M // _NW
_CHUNK = 96
_NCHUNK = _BPW // _CHUNK


def _gather_body(table_hbm, idx_hbm, out_hbm, i0, i1, i2, rows_v, sem):
    wid = lax.axis_index("c") * _NS + lax.axis_index("s")
    base = wid * _BPW
    bufs = (i0, i1, i2)
    for c in range(_NCHUNK):
        pltpu.sync_copy(idx_hbm.at[pl.ds(base + c * _CHUNK, _CHUNK)], bufs[c])
    cps = [
        pltpu.async_copy(table_hbm.at[bufs[c]],
                         rows_v.at[pl.ds(c * _CHUNK, _CHUNK)], sem)
        for c in range(_NCHUNK)
    ]
    for cp in cps:
        cp.wait()
    pltpu.sync_copy(rows_v, out_hbm.at[pl.ds(base, _BPW)])


def _gather_rows(qc, idx_flat):
    mesh = plsc.VectorSubcoreMesh(core_axis_name="c", subcore_axis_name="s")
    f = pl.kernel(
        _gather_body,
        out_type=jax.ShapeDtypeStruct((_M, _CODE_DIM), jnp.float32),
        mesh=mesh,
        scratch_types=[
            pltpu.VMEM((_CHUNK,), jnp.int32),
            pltpu.VMEM((_CHUNK,), jnp.int32),
            pltpu.VMEM((_CHUNK,), jnp.int32),
            pltpu.VMEM((_BPW, _CODE_DIM), jnp.float32),
            pltpu.SemaphoreType.DMA,
        ],
    )
    return f(qc, idx_flat)




def kernel(z, codebook_w, proj_w, proj_b):
    z2d = z.reshape(-1, _CODE_DIM)
    idx2d, qc = _argmin_codes(
        z2d, codebook_w, proj_w, proj_b.reshape(1, _CODE_DIM))
    idx = idx2d.reshape(-1)
    z_q = _gather_rows(qc, idx)
    return z_q.reshape(z.shape), idx.reshape(z.shape[:-1])

# --- scband reference (transcript-rebuilt; emitter-appended) ---
"""Pipeline reference for scband-vector-quantizer-83811991814255 (READ-ONLY COPY).

The authoritative reference and input builder live on the scoring server;
editing this copy changes nothing except your own understanding.
"""

import jax, jax.numpy as jnp
import numpy as np

NUM_CODES = 8192
CODE_DIM = 256


def setup_inputs(seed: int = 0) -> dict:
    key = jax.random.key(seed)
    k1, k2, k3, k4 = jax.random.split(key, 4)
    z = jax.random.normal(k1, (16, 576, CODE_DIM), dtype=jnp.float32)
    # codebook init: normal(mean=0, std=code_dim**-0.5), frozen (requires_grad=False)
    codebook_w = jax.random.normal(k2, (NUM_CODES, CODE_DIM), dtype=jnp.float32) * (CODE_DIM ** -0.5)
    # nn.Linear(code_dim, code_dim) params (kaiming-uniform-like init approximated)
    bound = 1.0 / np.sqrt(CODE_DIM)
    proj_w = jax.random.uniform(k3, (CODE_DIM, CODE_DIM), dtype=jnp.float32, minval=-bound, maxval=bound)
    proj_b = jax.random.uniform(k4, (CODE_DIM,), dtype=jnp.float32, minval=-bound, maxval=bound)
    return {"z": z, "codebook_w": codebook_w, "proj_w": proj_w, "proj_b": proj_b}


def reference(z, codebook_w, proj_w, proj_b):
    z_flat = z.reshape(-1, CODE_DIM)
    # embedding_proj applied to codebook weight: Linear -> x @ W.T + b
    quant_codebook = codebook_w @ proj_w.T + proj_b
    # squared euclidean distances: ||z||^2 + ||c||^2 - 2 z.c
    d = (jnp.sum(z_flat ** 2, axis=1, keepdims=True)
         + jnp.sum(quant_codebook ** 2, axis=1)
         - 2.0 * jnp.einsum('bd,nd->bn', z_flat, quant_codebook))
    indices = jnp.argmin(d, axis=1)
    z_q = jnp.take(quant_codebook, indices, axis=0).reshape(z.shape)
    # stats (buffer updates in torch; computed here for faithfulness, not returned)
    _ = jnp.bincount(indices.reshape(-1), length=NUM_CODES)
    return (z_q, indices.reshape(z.shape[:-1]))

if __name__ == "__main__":
    import jax
    _d = setup_inputs()
    print(jax.jit(kernel)(*tuple(_d.values())))

</pallas_src>

<mosaic_0001>
#map = affine_map<(d0, d1) -> (0, 0)>
#map1 = affine_map<(d0, d1) -> (0)>
module attributes {stable_mosaic.version = 14 : i64} {
  func.func @_gather_body(%arg0: i32, %arg1: i32, %arg2: memref<8192x256xf32, #tpu.memory_space<hbm>>, %arg3: memref<9216xi32, #tpu.memory_space<hbm>>, %arg4: memref<9216x256xf32, #tpu.memory_space<hbm>>, %arg5: memref<96xi32, #tpu.memory_space<vmem>>, %arg6: memref<96xi32, #tpu.memory_space<vmem>>, %arg7: memref<96xi32, #tpu.memory_space<vmem>>, %arg8: memref<288x256xf32, #tpu.memory_space<vmem>>, %arg9: memref<!tpu.dma_semaphore, #tpu.memory_space<semaphore_mem>>) attributes {dimension_semantics = [#tpu.dimension_semantics<core_parallel>, #tpu.dimension_semantics<subcore_parallel>], iteration_bounds = array<i64: 2, 16>, scalar_prefetch = 0 : i64, scratch_operands = 5 : i64, tpu.core_type = #tpu.core_type<sc_vector_subcore>, window_params = [{transform_indices = #map}, {transform_indices = #map1}, {transform_indices = #map}]} {
    %mul3A = arith.constant 16 : i32
    %mul3A_0 = arith.muli %arg0, %mul3A : i32
    %add3A = arith.addi %mul3A_0, %arg1 : i32
    %mul3A_1 = arith.constant 288 : i32
    %mul3A_2 = arith.muli %add3A, %mul3A_1 : i32
    %add3A_3 = arith.constant 0 : i32
    %add3A_4 = arith.addi %mul3A_2, %add3A_3 : i32
    "tpu.region"() ({
      %run_scoped3A = tpu.sem_alloc : memref<!tpu.dma_semaphore, #tpu.memory_space<semaphore_mem>>
      %dma_start3A_43 = tpu.memref_slice %arg3[%add3A_4] : memref<9216xi32, #tpu.memory_space<hbm>> -> memref<96xi32, #tpu.memory_space<hbm>>
      %dma_start3A_44 = tpu.memref_slice %arg3[%add3A_4] : memref<9216xi32, #tpu.memory_space<hbm>> -> memref<96xi32, #tpu.memory_space<hbm>>
      tpu.enqueue_dma source(%dma_start3A_44 : memref<96xi32, #tpu.memory_space<hbm>>) target(%arg5 : memref<96xi32, #tpu.memory_space<vmem>>) target_semaphore(%run_scoped3A : memref<!tpu.dma_semaphore, #tpu.memory_space<semaphore_mem>>)
      %dma_wait3A_45 = tpu.memref_slice %arg3[%add3A_4] : memref<9216xi32, #tpu.memory_space<hbm>> -> memref<96xi32, #tpu.memory_space<hbm>>
      %dma_wait3A_46 = tpu.memref_slice %arg3[%add3A_4] : memref<9216xi32, #tpu.memory_space<hbm>> -> memref<96xi32, #tpu.memory_space<hbm>>
      tpu.wait_dma2 semaphore(%run_scoped3A : memref<!tpu.dma_semaphore, #tpu.memory_space<semaphore_mem>>) src(%dma_wait3A_46 : memref<96xi32, #tpu.memory_space<hbm>>) dst(%arg5 : memref<96xi32, #tpu.memory_space<vmem>>)
      tpu.yield
    }) : () -> ()
    %add3A_5 = arith.constant 96 : i32
    %add3A_6 = arith.addi %mul3A_2, %add3A_5 : i32
    "tpu.region"() ({
      %run_scoped3A = tpu.sem_alloc : memref<!tpu.dma_semaphore, #tpu.memory_space<semaphore_mem>>
      %dma_start3A_43 = tpu.memref_slice %arg3[%add3A_6] : memref<9216xi32, #tpu.memory_space<hbm>> -> memref<96xi32, #tpu.memory_space<hbm>>
      %dma_start3A_44 = tpu.memref_slice %arg3[%add3A_6] : memref<9216xi32, #tpu.memory_space<hbm>> -> memref<96xi32, #tpu.memory_space<hbm>>
      tpu.enqueue_dma source(%dma_start3A_44 : memref<96xi32, #tpu.memory_space<hbm>>) target(%arg6 : memref<96xi32, #tpu.memory_space<vmem>>) target_semaphore(%run_scoped3A : memref<!tpu.dma_semaphore, #tpu.memory_space<semaphore_mem>>)
      %dma_wait3A_45 = tpu.memref_slice %arg3[%add3A_6] : memref<9216xi32, #tpu.memory_space<hbm>> -> memref<96xi32, #tpu.memory_space<hbm>>
      %dma_wait3A_46 = tpu.memref_slice %arg3[%add3A_6] : memref<9216xi32, #tpu.memory_space<hbm>> -> memref<96xi32, #tpu.memory_space<hbm>>
      tpu.wait_dma2 semaphore(%run_scoped3A : memref<!tpu.dma_semaphore, #tpu.memory_space<semaphore_mem>>) src(%dma_wait3A_46 : memref<96xi32, #tpu.memory_space<hbm>>) dst(%arg6 : memref<96xi32, #tpu.memory_space<vmem>>)
      tpu.yield
    }) : () -> ()
    %add3A_7 = arith.constant 192 : i32
    %add3A_8 = arith.addi %mul3A_2, %add3A_7 : i32
    "tpu.region"() ({
      %run_scoped3A = tpu.sem_alloc : memref<!tpu.dma_semaphore, #tpu.memory_space<semaphore_mem>>
      %dma_start3A_43 = tpu.memref_slice %arg3[%add3A_8] : memref<9216xi32, #tpu.memory_space<hbm>> -> memref<96xi32, #tpu.memory_space<hbm>>
      %dma_start3A_44 = tpu.memref_slice %arg3[%add3A_8] : memref<9216xi32, #tpu.memory_space<hbm>> -> memref<96xi32, #tpu.memory_space<hbm>>
      tpu.enqueue_dma source(%dma_start3A_44 : memref<96xi32, #tpu.memory_space<hbm>>) target(%arg7 : memref<96xi32, #tpu.memory_space<vmem>>) target_semaphore(%run_scoped3A : memref<!tpu.dma_semaphore, #tpu.memory_space<semaphore_mem>>)
      %dma_wait3A_45 = tpu.memref_slice %arg3[%add3A_8] : memref<9216xi32, #tpu.memory_space<hbm>> -> memref<96xi32, #tpu.memory_space<hbm>>
      %dma_wait3A_46 = tpu.memref_slice %arg3[%add3A_8] : memref<9216xi32, #tpu.memory_space<hbm>> -> memref<96xi32, #tpu.memory_space<hbm>>
      tpu.wait_dma2 semaphore(%run_scoped3A : memref<!tpu.dma_semaphore, #tpu.memory_space<semaphore_mem>>) src(%dma_wait3A_46 : memref<96xi32, #tpu.memory_space<hbm>>) dst(%arg7 : memref<96xi32, #tpu.memory_space<vmem>>)
      tpu.yield
    }) : () -> ()
    %dma_start3A = arith.constant 0 : i32
    %dma_start3A_9 = arith.constant 0 : i32
    %dma_start3A_10 = tpu.memref_slice %arg8[%dma_start3A, %dma_start3A_9] : memref<288x256xf32, #tpu.memory_space<vmem>> -> memref<96x256xf32, #tpu.memory_space<vmem>>
    %dma_start3A_11 = arith.constant 0 : i32
    %dma_start3A_12 = arith.constant 0 : i32
    %dma_start3A_13 = tpu.memref_slice %arg2[%dma_start3A_11, %dma_start3A_12] : memref<8192x256xf32, #tpu.memory_space<hbm>> -> memref<8192x256xf32, #tpu.memory_space<hbm>>
    tpu.enqueue_indirect_dma source(%dma_start3A_13 : memref<8192x256xf32, #tpu.memory_space<hbm>>) target(%dma_start3A_10 : memref<96x256xf32, #tpu.memory_space<vmem>>) offsets(%arg5 : memref<96xi32, #tpu.memory_space<vmem>>) semaphore(%arg9 : memref<!tpu.dma_semaphore, #tpu.memory_space<semaphore_mem>>)
    %dma_start3A_14 = arith.constant 96 : i32
    %dma_start3A_15 = arith.constant 0 : i32
    %dma_start3A_16 = tpu.memref_slice %arg8[%dma_start3A_14, %dma_start3A_15] : memref<288x256xf32, #tpu.memory_space<vmem>> -> memref<96x256xf32, #tpu.memory_space<vmem>>
    %dma_start3A_17 = arith.constant 0 : i32
    %dma_start3A_18 = arith.constant 0 : i32
    %dma_start3A_19 = tpu.memref_slice %arg2[%dma_start3A_17, %dma_start3A_18] : memref<8192x256xf32, #tpu.memory_space<hbm>> -> memref<8192x256xf32, #tpu.memory_space<hbm>>
    tpu.enqueue_indirect_dma source(%dma_start3A_19 : memref<8192x256xf32, #tpu.memory_space<hbm>>) target(%dma_start3A_16 : memref<96x256xf32, #tpu.memory_space<vmem>>) offsets(%arg6 : memref<96xi32, #tpu.memory_space<vmem>>) semaphore(%arg9 : memref<!tpu.dma_semaphore, #tpu.memory_space<semaphore_mem>>)
    %dma_start3A_20 = arith.constant 192 : i32
    %dma_start3A_21 = arith.constant 0 : i32
    %dma_start3A_22 = tpu.memref_slice %arg8[%dma_start3A_20, %dma_start3A_21] : memref<288x256xf32, #tpu.memory_space<vmem>> -> memref<96x256xf32, #tpu.memory_space<vmem>>
    %dma_start3A_23 = arith.constant 0 : i32
    %dma_start3A_24 = arith.constant 0 : i32
    %dma_start3A_25 = tpu.memref_slice %arg2[%dma_start3A_23, %dma_start3A_24] : memref<8192x256xf32, #tpu.memory_space<hbm>> -> memref<8192x256xf32, #tpu.memory_space<hbm>>
    tpu.enqueue_indirect_dma source(%dma_start3A_25 : memref<8192x256xf32, #tpu.memory_space<hbm>>) target(%dma_start3A_22 : memref<96x256xf32, #tpu.memory_space<vmem>>) offsets(%arg7 : memref<96xi32, #tpu.memory_space<vmem>>) semaphore(%arg9 : memref<!tpu.dma_semaphore, #tpu.memory_space<semaphore_mem>>)
    %dma_wait3A = arith.constant 0 : i32
    %dma_wait3A_26 = arith.constant 0 : i32
    %dma_wait3A_27 = tpu.memref_slice %arg8[%dma_wait3A, %dma_wait3A_26] : memref<288x256xf32, #tpu.memory_space<vmem>> -> memref<96x256xf32, #tpu.memory_space<vmem>>
    %dma_wait3A_28 = arith.constant 0 : i32
    %dma_wait3A_29 = arith.constant 0 : i32
    %dma_wait3A_30 = tpu.memref_slice %arg2[%dma_wait3A_28, %dma_wait3A_29] : memref<8192x256xf32, #tpu.memory_space<hbm>> -> memref<8192x256xf32, #tpu.memory_space<hbm>>
    tpu.wait_indirect_dma semaphore(%arg9 : memref<!tpu.dma_semaphore, #tpu.memory_space<semaphore_mem>>) src(%dma_wait3A_30 : memref<8192x256xf32, #tpu.memory_space<hbm>>) dst(%dma_wait3A_27 : memref<96x256xf32, #tpu.memory_space<vmem>>)
    %dma_wait3A_31 = arith.constant 96 : i32
    %dma_wait3A_32 = arith.constant 0 : i32
    %dma_wait3A_33 = tpu.memref_slice %arg8[%dma_wait3A_31, %dma_wait3A_32] : memref<288x256xf32, #tpu.memory_space<vmem>> -> memref<96x256xf32, #tpu.memory_space<vmem>>
    %dma_wait3A_34 = arith.constant 0 : i32
    %dma_wait3A_35 = arith.constant 0 : i32
    %dma_wait3A_36 = tpu.memref_slice %arg2[%dma_wait3A_34, %dma_wait3A_35] : memref<8192x256xf32, #tpu.memory_space<hbm>> -> memref<8192x256xf32, #tpu.memory_space<hbm>>
    tpu.wait_indirect_dma semaphore(%arg9 : memref<!tpu.dma_semaphore, #tpu.memory_space<semaphore_mem>>) src(%dma_wait3A_36 : memref<8192x256xf32, #tpu.memory_space<hbm>>) dst(%dma_wait3A_33 : memref<96x256xf32, #tpu.memory_space<vmem>>)
    %dma_wait3A_37 = arith.constant 192 : i32
    %dma_wait3A_38 = arith.constant 0 : i32
    %dma_wait3A_39 = tpu.memref_slice %arg8[%dma_wait3A_37, %dma_wait3A_38] : memref<288x256xf32, #tpu.memory_space<vmem>> -> memref<96x256xf32, #tpu.memory_space<vmem>>
    %dma_wait3A_40 = arith.constant 0 : i32
    %dma_wait3A_41 = arith.constant 0 : i32
    %dma_wait3A_42 = tpu.memref_slice %arg2[%dma_wait3A_40, %dma_wait3A_41] : memref<8192x256xf32, #tpu.memory_space<hbm>> -> memref<8192x256xf32, #tpu.memory_space<hbm>>
    tpu.wait_indirect_dma semaphore(%arg9 : memref<!tpu.dma_semaphore, #tpu.memory_space<semaphore_mem>>) src(%dma_wait3A_42 : memref<8192x256xf32, #tpu.memory_space<hbm>>) dst(%dma_wait3A_39 : memref<96x256xf32, #tpu.memory_space<vmem>>)
    "tpu.region"() ({
      %run_scoped3A = tpu.sem_alloc : memref<!tpu.dma_semaphore, #tpu.memory_space<semaphore_mem>>
      %dma_start3A_43 = arith.constant 0 : i32
      %dma_start3A_44 = tpu.memref_slice %arg4[%mul3A_2, %dma_start3A_43] : memref<9216x256xf32, #tpu.memory_space<hbm>> -> memref<288x256xf32, #tpu.memory_space<hbm>>
      %dma_start3A_45 = arith.constant 0 : i32
      %dma_start3A_46 = tpu.memref_slice %arg4[%mul3A_2, %dma_start3A_45] : memref<9216x256xf32, #tpu.memory_space<hbm>> -> memref<288x256xf32, #tpu.memory_space<hbm>>
      tpu.enqueue_dma source(%arg8 : memref<288x256xf32, #tpu.memory_space<vmem>>) target(%dma_start3A_46 : memref<288x256xf32, #tpu.memory_space<hbm>>) target_semaphore(%run_scoped3A : memref<!tpu.dma_semaphore, #tpu.memory_space<semaphore_mem>>)
      %dma_wait3A_47 = arith.constant 0 : i32
      %dma_wait3A_48 = tpu.memref_slice %arg4[%mul3A_2, %dma_wait3A_47] : memref<9216x256xf32, #tpu.memory_space<hbm>> -> memref<288x256xf32, #tpu.memory_space<hbm>>
      %dma_wait3A_49 = arith.constant 0 : i32
      %dma_wait3A_50 = tpu.memref_slice %arg4[%mul3A_2, %dma_wait3A_49] : memref<9216x256xf32, #tpu.memory_space<hbm>> -> memref<288x256xf32, #tpu.memory_space<hbm>>
      tpu.wait_dma2 semaphore(%run_scoped3A : memref<!tpu.dma_semaphore, #tpu.memory_space<semaphore_mem>>) src(%arg8 : memref<288x256xf32, #tpu.memory_space<vmem>>) dst(%dma_wait3A_50 : memref<288x256xf32, #tpu.memory_space<hbm>>)
      tpu.yield
    }) : () -> ()
    return
  }
}

module attributes {stable_mosaic.version = 14 : i64} {
  func.func @_argmin_body(%arg0: i32, %arg1: memref<1536x256xf32, #tpu.memory_space<vmem>>, %arg2: memref<8192x256xf32, #tpu.memory_space<vmem>>, %arg3: memref<256x256xf32, #tpu.memory_space<vmem>>, %arg4: memref<1x256xf32, #tpu.memory_space<vmem>>, %arg5: memref<1536x1xi32, #tpu.memory_space<vmem>>, %arg6: memref<8192x256xf32, #tpu.memory_space<vmem>>, %arg7: memref<1x8192xf32, #tpu.memory_space<vmem>>) attributes {dimension_semantics = [#tpu.dimension_semantics<arbitrary>], iteration_bounds = array<i64: 6>, scalar_prefetch = 0 : i64, scratch_operands = 1 : i64, tpu.core_type = #tpu.core_type<tc>, window_params = [{transform_indices = @transform_0, window_bounds = array<i64: 1536, 256>}, {pipeline_mode = #tpu.pipeline_mode<synchronous>, transform_indices = @transform_1, window_bounds = array<i64: 8192, 256>}, {pipeline_mode = #tpu.pipeline_mode<synchronous>, transform_indices = @transform_2, window_bounds = array<i64: 256, 256>}, {pipeline_mode = #tpu.pipeline_mode<synchronous>, transform_indices = @transform_3, window_bounds = array<i64: 1, 256>}, {transform_indices = @transform_4, window_bounds = array<i64: 1536, 1>}, {pipeline_mode = #tpu.pipeline_mode<synchronous>, transform_indices = @transform_5, window_bounds = array<i64: 8192, 256>}]} {
    %eq3A = arith.constant 0 : i32
    %eq3A_0 = arith.cmpi eq, %arg0, %eq3A : i32
    %convert_element_type3A = arith.extui %eq3A_0 : i1 to i32
    %cond3A = arith.constant 0 : i32
    %cond3A_1 = arith.cmpi ne, %convert_element_type3A, %cond3A : i32
    scf.if %cond3A_1 {
      %get3A_733 = arith.constant 0 : index
      %get3A_734 = arith.constant 0 : index
      %get3A_735 = vector.load %arg2[%get3A_733, %get3A_734] : memref<8192x256xf32, #tpu.memory_space<vmem>>, vector<8192x256xf32>
      %get3A_736 = arith.constant 0 : index
      %get3A_737 = arith.constant 0 : index
      %get3A_738 = vector.load %arg3[%get3A_736, %get3A_737] : memref<256x256xf32, #tpu.memory_space<vmem>>, vector<256x256xf32>
      %dot_general3A_739 = arith.constant dense<0.000000e+00> : vector<8192x256xf32>
      %dot_general3A_740 = tpu.matmul %get3A_735, %get3A_738, %dot_general3A_739 {dimension_numbers = #tpu.dot_dimension_numbers<[1], [1], [0], [0], [0, 0, 1, 0], [], []>, transpose_lhs_hint = false} : vector<8192x256xf32>, vector<256x256xf32>, vector<8192x256xf32> -> vector<8192x256xf32>
      %get3A_741 = arith.constant 0 : index
      %get3A_742 = arith.constant 0 : index
      %get3A_743 = vector.load %arg4[%get3A_741, %get3A_742] : memref<1x256xf32, #tpu.memory_space<vmem>>, vector<1x256xf32>
      %add3A_744 = vector.broadcast %get3A_743 : vector<1x256xf32> to vector<8192x256xf32>
      %add3A_745 = arith.addf %dot_general3A_740, %add3A_744 : vector<8192x256xf32>
      %swap3A_746 = arith.constant 0 : index
      %swap3A_747 = arith.constant 0 : index
      %swap3A_748 = vector.load %arg6[%swap3A_746, %swap3A_747] : memref<8192x256xf32, #tpu.memory_space<vmem>>, vector<8192x256xf32>
      tpu.vector_store %arg6[%swap3A_746, %swap3A_747], %add3A_745 {strides = array<i32>} : memref<8192x256xf32, #tpu.memory_space<vmem>>, vector<8192x256xf32>,
      %mul3A_749 = arith.mulf %add3A_745, %add3A_745 : vector<8192x256xf32>
      %reduce_sum3A_750 = arith.constant dense<0.000000e+00> : vector<8192xf32>
      %reduce_sum3A_751 = vector.multi_reduction <add>, %mul3A_749, %reduce_sum3A_750 [1] : vector<8192x256xf32> to vector<8192xf32>
      %broadcast_in_dim3A_752 = vector.shape_cast %reduce_sum3A_751 : vector<8192xf32> to vector<8192x1xf32>
      %reshape3A = vector.shape_cast %broadcast_in_dim3A_752 : vector<8192x1xf32> to vector<1x8192xf32>
      %swap3A_753 = arith.constant 0 : index
      %swap3A_754 = arith.constant 0 : index
      %swap3A_755 = vector.load %arg7[%swap3A_753, %swap3A_754] : memref<1x8192xf32, #tpu.memory_space<vmem>>, vector<1x8192xf32>
      tpu.vector_store %arg7[%swap3A_753, %swap3A_754], %reshape3A {strides = array<i32>} : memref<1x8192xf32, #tpu.memory_space<vmem>>, vector<1x8192xf32>,
    } else {
    }
    %get3A = arith.constant 0 : index
    %get3A_2 = arith.constant 0 : index
    %get3A_3 = vector.load %arg1[%get3A, %get3A_2] : memref<1536x256xf32, #tpu.memory_space<vmem>>, vector<1536x256xf32>
    %mul3A = arith.constant -2.000000e+00 : f32
    %mul3A_4 = vector.broadcast %mul3A : f32 to vector<1536x256xf32>
    %mul3A_5 = arith.mulf %get3A_3, %mul3A_4 : vector<1536x256xf32>
    %get3A_6 = arith.constant 0 : index
    %get3A_7 = arith.constant 0 : index
    %get3A_8 = vector.load %arg6[%get3A_6, %get3A_7] : memref<8192x256xf32, #tpu.memory_space<vmem>>, vector<8192x256xf32>
    %dot_general3A = arith.constant dense<0.000000e+00> : vector<1536x8192xf32>
    %dot_general3A_9 = tpu.matmul %mul3A_5, %get3A_8, %dot_general3A {dimension_numbers = #tpu.dot_dimension_numbers<[1], [1], [0], [0], [0, 0, 1, 0], [], []>, transpose_lhs_hint = false} : vector<1536x256xf32>, vector<8192x256xf32>, vector<1536x8192xf32> -> vector<1536x8192xf32>
    %mul3A_10 = arith.mulf %get3A_3, %get3A_3 : vector<1536x256xf32>
    %reduce_sum3A = arith.constant dense<0.000000e+00> : vector<1536xf32>
    %reduce_sum3A_11 = vector.multi_reduction <add>, %mul3A_10, %reduce_sum3A [1] : vector<1536x256xf32> to vector<1536xf32>
    %broadcast_in_dim3A = vector.shape_cast %reduce_sum3A_11 : vector<1536xf32> to vector<1536x1xf32>
    %get3A_12 = arith.constant 0 : index
    %get3A_13 = arith.constant 0 : index
    %get3A_14 = vector.load %arg7[%get3A_12, %get3A_13] : memref<1x8192xf32, #tpu.memory_space<vmem>>, vector<1x8192xf32>
    %broadcast_in_dim3A_15 = arith.constant 3.000000e+38 : f32
    %broadcast_in_dim3A_16 = vector.broadcast %broadcast_in_dim3A_15 : f32 to vector<1536x128xf32>
    %broadcast_in_dim3A_17 = arith.constant 0 : i32
    %broadcast_in_dim3A_18 = vector.broadcast %broadcast_in_dim3A_17 : i32 to vector<1536x128xi32>
    %slice3A = vector.extract_strided_slice %get3A_14 {offsets = [0, 0], sizes = [1, 128], strides = [1, 1]} : vector<1x8192xf32> to vector<1x128xf32>
    %add3A = vector.broadcast %broadcast_in_dim3A : vector<1536x1xf32> to vector<1536x128xf32>
    %add3A_19 = vector.broadcast %slice3A : vector<1x128xf32> to vector<1536x128xf32>
    %add3A_20 = arith.addf %add3A, %add3A_19 : vector<1536x128xf32>
    %slice3A_21 = vector.extract_strided_slice %dot_general3A_9 {offsets = [0, 0], sizes = [1536, 128], strides = [1, 1]} : vector<1536x8192xf32> to vector<1536x128xf32>
    %add3A_22 = arith.addf %add3A_20, %slice3A_21 : vector<1536x128xf32>
    %lt3A = arith.cmpf olt, %add3A_22, %broadcast_in_dim3A_16 : vector<1536x128xf32>
    %jit3A = arith.constant 0 : i32
    %broadcast_in_dim3A_23 = vector.broadcast %jit3A : i32 to vector<1536x128xi32>
    %select_n3A = arith.select %lt3A, %broadcast_in_dim3A_23, %broadcast_in_dim3A_18 : vector<1536x128xi1>, vector<1536x128xi32>
    %min3A = arith.minimumf %broadcast_in_dim3A_16, %add3A_22 : vector<1536x128xf32>
    %slice3A_24 = vector.extract_strided_slice %get3A_14 {offsets = [0, 128], sizes = [1, 128], strides = [1, 1]} : vector<1x8192xf32> to vector<1x128xf32>
    %add3A_25 = vector.broadcast %broadcast_in_dim3A : vector<1536x1xf32> to vector<1536x128xf32>
    %add3A_26 = vector.broadcast %slice3A_24 : vector<1x128xf32> to vector<1536x128xf32>
    %add3A_27 = arith.addf %add3A_25, %add3A_26 : vector<1536x128xf32>
    %slice3A_28 = vector.extract_strided_slice %dot_general3A_9 {offsets = [0, 128], sizes = [1536, 128], strides = [1, 1]} : vector<1536x8192xf32> to vector<1536x128xf32>
    %add3A_29 = arith.addf %add3A_27, %slice3A_28 : vector<1536x128xf32>
    %lt3A_30 = arith.cmpf olt, %add3A_29, %min3A : vector<1536x128xf32>
    %jit3A_31 = arith.constant 1 : i32
    %broadcast_in_dim3A_32 = vector.broadcast %jit3A_31 : i32 to vector<1536x128xi32>
    %select_n3A_33 = arith.select %lt3A_30, %broadcast_in_dim3A_32, %select_n3A : vector<1536x128xi1>, vector<1536x128xi32>
    %min3A_34 = arith.minimumf %min3A, %add3A_29 : vector<1536x128xf32>
    %slice3A_35 = vector.extract_strided_slice %get3A_14 {offsets = [0, 256], sizes = [1, 128], strides = [1, 1]} : vector<1x8192xf32> to vector<1x128xf32>
    %add3A_36 = vector.broadcast %broadcast_in_dim3A : vector<1536x1xf32> to vector<1536x128xf32>
    %add3A_37 = vector.broadcast %slice3A_35 : vector<1x128xf32> to vector<1536x128xf32>
    %add3A_38 = arith.addf %add3A_36, %add3A_37 : vector<1536x128xf32>
    %slice3A_39 = vector.extract_strided_slice %dot_general3A_9 {offsets = [0, 256], sizes = [1536, 128], strides = [1, 1]} : vector<1536x8192xf32> to vector<1536x128xf32>
    %add3A_40 = arith.addf %add3A_38, %slice3A_39 : vector<1536x128xf32>
    %lt3A_41 = arith.cmpf olt, %add3A_40, %min3A_34 : vector<1536x128xf32>
    %jit3A_42 = arith.constant 2 : i32
    %broadcast_in_dim3A_43 = vector.broadcast %jit3A_42 : i32 to vector<1536x128xi32>
    %select_n3A_44 = arith.select %lt3A_41, %broadcast_in_dim3A_43, %select_n3A_33 : vector<1536x128xi1>, vector<1536x128xi32>
    %min3A_45 = arith.minimumf %min3A_34, %add3A_40 : vector<1536x128xf32>
    %slice3A_46 = vector.extract_strided_slice %get3A_14 {offsets = [0, 384], sizes = [1, 128], strides = [1, 1]} : vector<1x8192xf32> to vector<1x128xf32>
    %add3A_47 = vector.broadcast %broadcast_in_dim3A : vector<1536x1xf32> to vector<1536x128xf32>
    %add3A_48 = vector.broadcast %slice3A_46 : vector<1x128xf32> to vector<1536x128xf32>
    %add3A_49 = arith.addf %add3A_47, %add3A_48 : vector<1536x128xf32>
    %slice3A_50 = vector.extract_strided_slice %dot_general3A_9 {offsets = [0, 384], sizes = [1536, 128], strides = [1, 1]} : vector<1536x8192xf32> to vector<1536x128xf32>
    %add3A_51 = arith.addf %add3A_49, %slice3A_50 : vector<1536x128xf32>
    %lt3A_52 = arith.cmpf olt, %add3A_51, %min3A_45 : vector<1536x128xf32>
    %jit3A_53 = arith.constant 3 : i32
    %broadcast_in_dim3A_54 = vector.broadcast %jit3A_53 : i32 to vector<1536x128xi32>
    %select_n3A_55 = arith.select %lt3A_52, %broadcast_in_dim3A_54, %select_n3A_44 : vector<1536x128xi1>, vector<1536x128xi32>
    %min3A_56 = arith.minimumf %min3A_45, %add3A_51 : vector<1536x128xf32>
    %slice3A_57 = vector.extract_strided_slice %get3A_14 {offsets = [0, 512], sizes = [1, 128], strides = [1, 1]} : vector<1x8192xf32> to vector<1x128xf32>
    %add3A_58 = vector.broadcast %broadcast_in_dim3A : vector<1536x1xf32> to vector<1536x128xf32>
    %add3A_59 = vector.broadcast %slice3A_57 : vector<1x128xf32> to vector<1536x128xf32>
    %add3A_60 = arith.addf %add3A_58, %add3A_59 : vector<1536x128xf32>
    %slice3A_61 = vector.extract_strided_slice %dot_general3A_9 {offsets = [0, 512], sizes = [1536, 128], strides = [1, 1]} : vector<1536x8192xf32> to vector<1536x128xf32>
    %add3A_62 = arith.addf %add3A_60, %slice3A_61 : vector<1536x128xf32>
    %lt3A_63 = arith.cmpf olt, %add3A_62, %min3A_56 : vector<1536x128xf32>
    %jit3A_64 = arith.constant 4 : i32
    %broadcast_in_dim3A_65 = vector.broadcast %jit3A_64 : i32 to vector<1536x128xi32>
    %select_n3A_66 = arith.select %lt3A_63, %broadcast_in_dim3A_65, %select_n3A_55 : vector<1536x128xi1>, vector<1536x128xi32>
    %min3A_67 = arith.minimumf %min3A_56, %add3A_62 : vector<1536x128xf32>
    %slice3A_68 = vector.extract_strided_slice %get3A_14 {offsets = [0, 640], sizes = [1, 128], strides = [1, 1]} : vector<1x8192xf32> to vector<1x128xf32>
    %add3A_69 = vector.broadcast %broadcast_in_dim3A : vector<1536x1xf32> to vector<1536x128xf32>
    %add3A_70 = vector.broadcast %slice3A_68 : vector<1x128xf32> to vector<1536x128xf32>
    %add3A_71 = arith.addf %add3A_69, %add3A_70 : vector<1536x128xf32>
    %slice3A_72 = vector.extract_strided_slice %dot_general3A_9 {offsets = [0, 640], sizes = [1536, 128], strides = [1, 1]} : vector<1536x8192xf32> to vector<1536x128xf32>
    %add3A_73 = arith.addf %add3A_71, %slice3A_72 : vector<1536x128xf32>
    %lt3A_74 = arith.cmpf olt, %add3A_73, %min3A_67 : vector<1536x128xf32>
    %jit3A_75 = arith.constant 5 : i32
    %broadcast_in_dim3A_76 = vector.broadcast %jit3A_75 : i32 to vector<1536x128xi32>
    %select_n3A_77 = arith.select %lt3A_74, %broadcast_in_dim3A_76, %select_n3A_66 : vector<1536x128xi1>, vector<1536x128xi32>
    %min3A_78 = arith.minimumf %min3A_67, %add3A_73 : vector<1536x128xf32>
    %slice3A_79 = vector.extract_strided_slice %get3A_14 {offsets = [0, 768], sizes = [1, 128], strides = [1, 1]} : vector<1x8192xf32> to vector<1x128xf32>
    %add3A_80 = vector.broadcast %broadcast_in_dim3A : vector<1536x1xf32> to vector<1536x128xf32>
    %add3A_81 = vector.broadcast %slice3A_79 : vector<1x128xf32> to vector<1536x128xf32>
    %add3A_82 = arith.addf %add3A_80, %add3A_81 : vector<1536x128xf32>
    %slice3A_83 = vector.extract_strided_slice %dot_general3A_9 {offsets = [0, 768], sizes = [1536, 128], strides = [1, 1]} : vector<1536x8192xf32> to vector<1536x128xf32>
    %add3A_84 = arith.addf %add3A_82, %slice3A_83 : vector<1536x128xf32>
    %lt3A_85 = arith.cmpf olt, %add3A_84, %min3A_78 : vector<1536x128xf32>
    %jit3A_86 = arith.constant 6 : i32
    %broadcast_in_dim3A_87 = vector.broadcast %jit3A_86 : i32 to vector<1536x128xi32>
    %select_n3A_88 = arith.select %lt3A_85, %broadcast_in_dim3A_87, %select_n3A_77 : vector<1536x128xi1>, vector<1536x128xi32>
    %min3A_89 = arith.minimumf %min3A_78, %add3A_84 : vector<1536x128xf32>
    %slice3A_90 = vector.extract_strided_slice %get3A_14 {offsets = [0, 896], sizes = [1, 128], strides = [1, 1]} : vector<1x8192xf32> to vector<1x128xf32>
    %add3A_91 = vector.broadcast %broadcast_in_dim3A : vector<1536x1xf32> to vector<1536x128xf32>
    %add3A_92 = vector.broadcast %slice3A_90 : vector<1x128xf32> to vector<1536x128xf32>
    %add3A_93 = arith.addf %add3A_91, %add3A_92 : vector<1536x128xf32>
    %slice3A_94 = vector.extract_strided_slice %dot_general3A_9 {offsets = [0, 896], sizes = [1536, 128], strides = [1, 1]} : vector<1536x8192xf32> to vector<1536x128xf32>
    %add3A_95 = arith.addf %add3A_93, %slice3A_94 : vector<1536x128xf32>
    %lt3A_96 = arith.cmpf olt, %add3A_95, %min3A_89 : vector<1536x128xf32>
    %jit3A_97 = arith.constant 7 : i32
    %broadcast_in_dim3A_98 = vector.broadcast %jit3A_97 : i32 to vector<1536x128xi32>
    %select_n3A_99 = arith.select %lt3A_96, %broadcast_in_dim3A_98, %select_n3A_88 : vector<1536x128xi1>, vector<1536x128xi32>
    %min3A_100 = arith.minimumf %min3A_89, %add3A_95 : vector<1536x128xf32>
    %slice3A_101 = vector.extract_strided_slice %get3A_14 {offsets = [0, 1024], sizes = [1, 128], strides = [1, 1]} : vector<1x8192xf32> to vector<1x128xf32>
    %add3A_102 = vector.broadcast %broadcast_in_dim3A : vector<1536x1xf32> to vector<1536x128xf32>
    %add3A_103 = vector.broadcast %slice3A_101 : vector<1x128xf32> to vector<1536x128xf32>
    %add3A_104 = arith.addf %add3A_102, %add3A_103 : vector<1536x128xf32>
    %slice3A_105 = vector.extract_strided_slice %dot_general3A_9 {offsets = [0, 1024], sizes = [1536, 128], strides = [1, 1]} : vector<1536x8192xf32> to vector<1536x128xf32>
    %add3A_106 = arith.addf %add3A_104, %slice3A_105 : vector<1536x128xf32>
    %lt3A_107 = arith.cmpf olt, %add3A_106, %min3A_100 : vector<1536x128xf32>
    %jit3A_108 = arith.constant 8 : i32
    %broadcast_in_dim3A_109 = vector.broadcast %jit3A_108 : i32 to vector<1536x128xi32>
    %select_n3A_110 = arith.select %lt3A_107, %broadcast_in_dim3A_109, %select_n3A_99 : vector<1536x128xi1>, vector<1536x128xi32>
    %min3A_111 = arith.minimumf %min3A_100, %add3A_106 : vector<1536x128xf32>
    %slice3A_112 = vector.extract_strided_slice %get3A_14 {offsets = [0, 1152], sizes = [1, 128], strides = [1, 1]} : vector<1x8192xf32> to vector<1x128xf32>
    %add3A_113 = vector.broadcast %broadcast_in_dim3A : vector<1536x1xf32> to vector<1536x128xf32>
    %add3A_114 = vector.broadcast %slice3A_112 : vector<1x128xf32> to vector<1536x128xf32>
    %add3A_115 = arith.addf %add3A_113, %add3A_114 : vector<1536x128xf32>
    %slice3A_116 = vector.extract_strided_slice %dot_general3A_9 {offsets = [0, 1152], sizes = [1536, 128], strides = [1, 1]} : vector<1536x8192xf32> to vector<1536x128xf32>
    %add3A_117 = arith.addf %add3A_115, %slice3A_116 : vector<1536x128xf32>
    %lt3A_118 = arith.cmpf olt, %add3A_117, %min3A_111 : vector<1536x128xf32>
    %jit3A_119 = arith.constant 9 : i32
    %broadcast_in_dim3A_120 = vector.broadcast %jit3A_119 : i32 to vector<1536x128xi32>
    %select_n3A_121 = arith.select %lt3A_118, %broadcast_in_dim3A_120, %select_n3A_110 : vector<1536x128xi1>, vector<1536x128xi32>
    %min3A_122 = arith.minimumf %min3A_111, %add3A_117 : vector<1536x128xf32>
    %slice3A_123 = vector.extract_strided_slice %get3A_14 {offsets = [0, 1280], sizes = [1, 128], strides = [1, 1]} : vector<1x8192xf32> to vector<1x128xf32>
    %add3A_124 = vector.broadcast %broadcast_in_dim3A : vector<1536x1xf32> to vector<1536x128xf32>
    %add3A_125 = vector.broadcast %slice3A_123 : vector<1x128xf32> to vector<1536x128xf32>
    %add3A_126 = arith.addf %add3A_124, %add3A_125 : vector<1536x128xf32>
    %slice3A_127 = vector.extract_strided_slice %dot_general3A_9 {offsets = [0, 1280], sizes = [1536, 128], strides = [1, 1]} : vector<1536x8192xf32> to vector<1536x128xf32>
    %add3A_128 = arith.addf %add3A_126, %slice3A_127 : vector<1536x128xf32>
    %lt3A_129 = arith.cmpf olt, %add3A_128, %min3A_122 : vector<1536x128xf32>
    %jit3A_130 = arith.constant 10 : i32
    %broadcast_in_dim3A_131 = vector.broadcast %jit3A_130 : i32 to vector<1536x128xi32>
    %select_n3A_132 = arith.select %lt3A_129, %broadcast_in_dim3A_131, %select_n3A_121 : vector<1536x128xi1>, vector<1536x128xi32>
    %min3A_133 = arith.minimumf %min3A_122, %add3A_128 : vector<1536x128xf32>
    %slice3A_134 = vector.extract_strided_slice %get3A_14 {offsets = [0, 1408], sizes = [1, 128], strides = [1, 1]} : vector<1x8192xf32> to vector<1x128xf32>
    %add3A_135 = vector.broadcast %broadcast_in_dim3A : vector<1536x1xf32> to vector<1536x128xf32>
    %add3A_136 = vector.broadcast %slice3A_134 : vector<1x128xf32> to vector<1536x128xf32>
    %add3A_137 = arith.addf %add3A_135, %add3A_136 : vector<1536x128xf32>
    %slice3A_138 = vector.extract_strided_slice %dot_general3A_9 {offsets = [0, 1408], sizes = [1536, 128], strides = [1, 1]} : vector<1536x8192xf32> to vector<1536x128xf32>
    %add3A_139 = arith.addf %add3A_137, %slice3A_138 : vector<1536x128xf32>
    %lt3A_140 = arith.cmpf olt, %add3A_139, %min3A_133 : vector<1536x128xf32>
    %jit3A_141 = arith.constant 11 : i32
    %broadcast_in_dim3A_142 = vector.broadcast %jit3A_141 : i32 to vector<1536x128xi32>
    %select_n3A_143 = arith.select %lt3A_140, %broadcast_in_dim3A_142, %select_n3A_132 : vector<1536x128xi1>, vector<1536x128xi32>
    %min3A_144 = arith.minimumf %min3A_133, %add3A_139 : vector<1536x128xf32>
    %slice3A_145 = vector.extract_strided_slice %get3A_14 {offsets = [0, 1536], sizes = [1, 128], strides = [1, 1]} : vector<1x8192xf32> to vector<1x128xf32>
    %add3A_146 = vector.broadcast %broadcast_in_dim3A : vector<1536x1xf32> to vector<1536x128xf32>
    %add3A_147 = vector.broadcast %slice3A_145 : vector<1x128xf32> to vector<1536x128xf32>
    %add3A_148 = arith.addf %add3A_146, %add3A_147 : vector<1536x128xf32>
    %slice3A_149 = vector.extract_strided_slice %dot_general3A_9 {offsets = [0, 1536], sizes = [1536, 128], strides = [1, 1]} : vector<1536x8192xf32> to vector<1536x128xf32>
    %add3A_150 = arith.addf %add3A_148, %slice3A_149 : vector<1536x128xf32>
    %lt3A_151 = arith.cmpf olt, %add3A_150, %min3A_144 : vector<1536x128xf32>
    %jit3A_152 = arith.constant 12 : i32
    %broadcast_in_dim3A_153 = vector.broadcast %jit3A_152 : i32 to vector<1536x128xi32>
    %select_n3A_154 = arith.select %lt3A_151, %broadcast_in_dim3A_153, %select_n3A_143 : vector<1536x128xi1>, vector<1536x128xi32>
    %min3A_155 = arith.minimumf %min3A_144, %add3A_150 : vector<1536x128xf32>
    %slice3A_156 = vector.extract_strided_slice %get3A_14 {offsets = [0, 1664], sizes = [1, 128], strides = [1, 1]} : vector<1x8192xf32> to vector<1x128xf32>
    %add3A_157 = vector.broadcast %broadcast_in_dim3A : vector<1536x1xf32> to vector<1536x128xf32>
    %add3A_158 = vector.broadcast %slice3A_156 : vector<1x128xf32> to vector<1536x128xf32>
    %add3A_159 = arith.addf %add3A_157, %add3A_158 : vector<1536x128xf32>
    %slice3A_160 = vector.extract_strided_slice %dot_general3A_9 {offsets = [0, 1664], sizes = [1536, 128], strides = [1, 1]} : vector<1536x8192xf32> to vector<1536x128xf32>
    %add3A_161 = arith.addf %add3A_159, %slice3A_160 : vector<1536x128xf32>
    %lt3A_162 = arith.cmpf olt, %add3A_161, %min3A_155 : vector<1536x128xf32>
    %jit3A_163 = arith.constant 13 : i32
    %broadcast_in_dim3A_164 = vector.broadcast %jit3A_163 : i32 to vector<1536x128xi32>
    %select_n3A_165 = arith.select %lt3A_162, %broadcast_in_dim3A_164, %select_n3A_154 : vector<1536x128xi1>, vector<1536x128xi32>
    %min3A_166 = arith.minimumf %min3A_155, %add3A_161 : vector<1536x128xf32>
    %slice3A_167 = vector.extract_strided_slice %get3A_14 {offsets = [0, 1792], sizes = [1, 128], strides = [1, 1]} : vector<1x8192xf32> to vector<1x128xf32>
    %add3A_168 = vector.broadcast %broadcast_in_dim3A : vector<1536x1xf32> to vector<1536x128xf32>
    %add3A_169 = vector.broadcast %slice3A_167 : vector<1x128xf32> to vector<1536x128xf32>
    %add3A_170 = arith.addf %add3A_168, %add3A_169 : vector<1536x128xf32>
    %slice3A_171 = vector.extract_strided_slice %dot_general3A_9 {offsets = [0, 1792], sizes = [1536, 128], strides = [1, 1]} : vector<1536x8192xf32> to vector<1536x128xf32>
    %add3A_172 = arith.addf %add3A_170, %slice3A_171 : vector<1536x128xf32>
    %lt3A_173 = arith.cmpf olt, %add3A_172, %min3A_166 : vector<1536x128xf32>
    %jit3A_174 = arith.constant 14 : i32
    %broadcast_in_dim3A_175 = vector.broadcast %jit3A_174 : i32 to vector<1536x128xi32>
    %select_n3A_176 = arith.select %lt3A_173, %broadcast_in_dim3A_175, %select_n3A_165 : vector<1536x128xi1>, vector<1536x128xi32>
    %min3A_177 = arith.minimumf %min3A_166, %add3A_172 : vector<1536x128xf32>
    %slice3A_178 = vector.extract_strided_slice %get3A_14 {offsets = [0, 1920], sizes = [1, 128], strides = [1, 1]} : vector<1x8192xf32> to vector<1x128xf32>
    %add3A_179 = vector.broadcast %broadcast_in_dim3A : vector<1536x1xf32> to vector<1536x128xf32>
    %add3A_180 = vector.broadcast %slice3A_178 : vector<1x128xf32> to vector<1536x128xf32>
    %add3A_181 = arith.addf %add3A_179, %add3A_180 : vector<1536x128xf32>
    %slice3A_182 = vector.extract_strided_slice %dot_general3A_9 {offsets = [0, 1920], sizes = [1536, 128], strides = [1, 1]} : vector<1536x8192xf32> to vector<1536x128xf32>
    %add3A_183 = arith.addf %add3A_181, %slice3A_182 : vector<1536x128xf32>
    %lt3A_184 = arith.cmpf olt, %add3A_183, %min3A_177 : vector<1536x128xf32>
    %jit3A_185 = arith.constant 15 : i32
    %broadcast_in_dim3A_186 = vector.broadcast %jit3A_185 : i32 to vector<1536x128xi32>
    %select_n3A_187 = arith.select %lt3A_184, %broadcast_in_dim3A_186, %select_n3A_176 : vector<1536x128xi1>, vector<1536x128xi32>
    %min3A_188 = arith.minimumf %min3A_177, %add3A_183 : vector<1536x128xf32>
    %slice3A_189 = vector.extract_strided_slice %get3A_14 {offsets = [0, 2048], sizes = [1, 128], strides = [1, 1]} : vector<1x8192xf32> to vector<1x128xf32>
    %add3A_190 = vector.broadcast %broadcast_in_dim3A : vector<1536x1xf32> to vector<1536x128xf32>
    %add3A_191 = vector.broadcast %slice3A_189 : vector<1x128xf32> to vector<1536x128xf32>
    %add3A_192 = arith.addf %add3A_190, %add3A_191 : vector<1536x128xf32>
    %slice3A_193 = vector.extract_strided_slice %dot_general3A_9 {offsets = [0, 2048], sizes = [1536, 128], strides = [1, 1]} : vector<1536x8192xf32> to vector<1536x128xf32>
    %add3A_194 = arith.addf %add3A_192, %slice3A_193 : vector<1536x128xf32>
    %lt3A_195 = arith.cmpf olt, %add3A_194, %min3A_188 : vector<1536x128xf32>
    %jit3A_196 = arith.constant 16 : i32
    %broadcast_in_dim3A_197 = vector.broadcast %jit3A_196 : i32 to vector<1536x128xi32>
    %select_n3A_198 = arith.select %lt3A_195, %broadcast_in_dim3A_197, %select_n3A_187 : vector<1536x128xi1>, vector<1536x128xi32>
    %min3A_199 = arith.minimumf %min3A_188, %add3A_194 : vector<1536x128xf32>
    %slice3A_200 = vector.extract_strided_slice %get3A_14 {offsets = [0, 2176], sizes = [1, 128], strides = [1, 1]} : vector<1x8192xf32> to vector<1x128xf32>
    %add3A_201 = vector.broadcast %broadcast_in_dim3A : vector<1536x1xf32> to vector<1536x128xf32>
    %add3A_202 = vector.broadcast %slice3A_200 : vector<1x128xf32> to vector<1536x128xf32>
    %add3A_203 = arith.addf %add3A_201, %add3A_202 : vector<1536x128xf32>
    %slice3A_204 = vector.extract_strided_slice %dot_general3A_9 {offsets = [0, 2176], sizes = [1536, 128], strides = [1, 1]} : vector<1536x8192xf32> to vector<1536x128xf32>
    %add3A_205 = arith.addf %add3A_203, %slice3A_204 : vector<1536x128xf32>
    %lt3A_206 = arith.cmpf olt, %add3A_205, %min3A_199 : vector<1536x128xf32>
    %jit3A_207 = arith.constant 17 : i32
    %broadcast_in_dim3A_208 = vector.broadcast %jit3A_207 : i32 to vector<1536x128xi32>
    %select_n3A_209 = arith.select %lt3A_206, %broadcast_in_dim3A_208, %select_n3A_198 : vector<1536x128xi1>, vector<1536x128xi32>
    %min3A_210 = arith.minimumf %min3A_199, %add3A_205 : vector<1536x128xf32>
    %slice3A_211 = vector.extract_strided_slice %get3A_14 {offsets = [0, 2304], sizes = [1, 128], strides = [1, 1]} : vector<1x8192xf32> to vector<1x128xf32>
    %add3A_212 = vector.broadcast %broadcast_in_dim3A : vector<1536x1xf32> to vector<1536x128xf32>
    %add3A_213 = vector.broadcast %slice3A_211 : vector<1x128xf32> to vector<1536x128xf32>
    %add3A_214 = arith.addf %add3A_212, %add3A_213 : vector<1536x128xf32>
    %slice3A_215 = vector.extract_strided_slice %dot_general3A_9 {offsets = [0, 2304], sizes = [1536, 128], strides = [1, 1]} : vector<1536x8192xf32> to vector<1536x128xf32>
    %add3A_216 = arith.addf %add3A_214, %slice3A_215 : vector<1536x128xf32>
    %lt3A_217 = arith.cmpf olt, %add3A_216, %min3A_210 : vector<1536x128xf32>
    %jit3A_218 = arith.constant 18 : i32
    %broadcast_in_dim3A_219 = vector.broadcast %jit3A_218 : i32 to vector<1536x128xi32>
    %select_n3A_220 = arith.select %lt3A_217, %broadcast_in_dim3A_219, %select_n3A_209 : vector<1536x128xi1>, vector<1536x128xi32>
    %min3A_221 = arith.minimumf %min3A_210, %add3A_216 : vector<1536x128xf32>
    %slice3A_222 = vector.extract_strided_slice %get3A_14 {offsets = [0, 2432], sizes = [1, 128], strides = [1, 1]} : vector<1x8192xf32> to vector<1x128xf32>
    %add3A_223 = vector.broadcast %broadcast_in_dim3A : vector<1536x1xf32> to vector<1536x128xf32>
    %add3A_224 = vector.broadcast %slice3A_222 : vector<1x128xf32> to vector<1536x128xf32>
    %add3A_225 = arith.addf %add3A_223, %add3A_224 : vector<1536x128xf32>
    %slice3A_226 = vector.extract_strided_slice %dot_general3A_9 {offsets = [0, 2432], sizes = [1536, 128], strides = [1, 1]} : vector<1536x8192xf32> to vector<1536x128xf32>
    %add3A_227 = arith.addf %add3A_225, %slice3A_226 : vector<1536x128xf32>
    %lt3A_228 = arith.cmpf olt, %add3A_227, %min3A_221 : vector<1536x128xf32>
    %jit3A_229 = arith.constant 19 : i32
    %broadcast_in_dim3A_230 = vector.broadcast %jit3A_229 : i32 to vector<1536x128xi32>
    %select_n3A_231 = arith.select %lt3A_228, %broadcast_in_dim3A_230, %select_n3A_220 : vector<1536x128xi1>, vector<1536x128xi32>
    %min3A_232 = arith.minimumf %min3A_221, %add3A_227 : vector<1536x128xf32>
    %slice3A_233 = vector.extract_strided_slice %get3A_14 {offsets = [0, 2560], sizes = [1, 128], strides = [1, 1]} : vector<1x8192xf32> to vector<1x128xf32>
    %add3A_234 = vector.broadcast %broadcast_in_dim3A : vector<1536x1xf32> to vector<1536x128xf32>
    %add3A_235 = vector.broadcast %slice3A_233 : vector<1x128xf32> to vector<1536x128xf32>
    %add3A_236 = arith.addf %add3A_234, %add3A_235 : vector<1536x128xf32>
    %slice3A_237 = vector.extract_strided_slice %dot_general3A_9 {offsets = [0, 2560], sizes = [1536, 128], strides = [1, 1]} : vector<1536x8192xf32> to vector<1536x128xf32>
    %add3A_238 = arith.addf %add3A_236, %slice3A_237 : vector<1536x128xf32>
    %lt3A_239 = arith.cmpf olt, %add3A_238, %min3A_232 : vector<1536x128xf32>
    %jit3A_240 = arith.constant 20 : i32
    %broadcast_in_dim3A_241 = vector.broadcast %jit3A_240 : i32 to vector<1536x128xi32>
    %select_n3A_242 = arith.select %lt3A_239, %broadcast_in_dim3A_241, %select_n3A_231 : vector<1536x128xi1>, vector<1536x128xi32>
    %min3A_243 = arith.minimumf %min3A_232, %add3A_238 : vector<1536x128xf32>
    %slice3A_244 = vector.extract_strided_slice %get3A_14 {offsets = [0, 2688], sizes = [1, 128], strides = [1, 1]} : vector<1x8192xf32> to vector<1x128xf32>
    %add3A_245 = vector.broadcast %broadcast_in_dim3A : vector<1536x1xf32> to vector<1536x128xf32>
    %add3A_246 = vector.broadcast %slice3A_244 : vector<1x128xf32> to vector<1536x128xf32>
    %add3A_247 = arith.addf %add3A_245, %add3A_246 : vector<1536x128xf32>
    %slice3A_248 = vector.extract_strided_slice %dot_general3A_9 {offsets = [0, 2688], sizes = [1536, 128], strides = [1, 1]} : vector<1536x8192xf32> to vector<1536x128xf32>
    %add3A_249 = arith.addf %add3A_247, %slice3A_248 : vector<1536x128xf32>
    %lt3A_250 = arith.cmpf olt, %add3A_249, %min3A_243 : vector<1536x128xf32>
    %jit3A_251 = arith.constant 21 : i32
    %broadcast_in_dim3A_252 = vector.broadcast %jit3A_251 : i32 to vector<1536x128xi32>
    %select_n3A_253 = arith.select %lt3A_250, %broadcast_in_dim3A_252, %select_n3A_242 : vector<1536x128xi1>, vector<1536x128xi32>
    %min3A_254 = arith.minimumf %min3A_243, %add3A_249 : vector<1536x128xf32>
    %slice3A_255 = vector.extract_strided_slice %get3A_14 {offsets = [0, 2816], sizes = [1, 128], strides = [1, 1]} : vector<1x8192xf32> to vector<1x128xf32>
    %add3A_256 = vector.broadcast %broadcast_in_dim3A : vector<1536x1xf32> to vector<1536x128xf32>
    %add3A_257 = vector.broadcast %slice3A_255 : vector<1x128xf32> to vector<1536x128xf32>
    %add3A_258 = arith.addf %add3A_256, %add3A_257 : vector<1536x128xf32>
    %slice3A_259 = vector.extract_strided_slice %dot_general3A_9 {offsets = [0, 2816], sizes = [1536, 128], strides = [1, 1]} : vector<1536x8192xf32> to vector<1536x128xf32>
    %add3A_260 = arith.addf %add3A_258, %slice3A_259 : vector<1536x128xf32>
    %lt3A_261 = arith.cmpf olt, %add3A_260, %min3A_254 : vector<1536x128xf32>
    %jit3A_262 = arith.constant 22 : i32
    %broadcast_in_dim3A_263 = vector.broadcast %jit3A_262 : i32 to vector<1536x128xi32>
    %select_n3A_264 = arith.select %lt3A_261, %broadcast_in_dim3A_263, %select_n3A_253 : vector<1536x128xi1>, vector<1536x128xi32>
    %min3A_265 = arith.minimumf %min3A_254, %add3A_260 : vector<1536x128xf32>
    %slice3A_266 = vector.extract_strided_slice %get3A_14 {offsets = [0, 2944], sizes = [1, 128], strides = [1, 1]} : vector<1x8192xf32> to vector<1x128xf32>
    %add3A_267 = vector.broadcast %broadcast_in_dim3A : vector<1536x1xf32> to vector<1536x128xf32>
    %add3A_268 = vector.broadcast %slice3A_266 : vector<1x128xf32> to vector<1536x128xf32>
    %add3A_269 = arith.addf %add3A_267, %add3A_268 : vector<1536x128xf32>
    %slice3A_270 = vector.extract_strided_slice %dot_general3A_9 {offsets = [0, 2944], sizes = [1536, 128], strides = [1, 1]} : vector<1536x8192xf32> to vector<1536x128xf32>
    %add3A_271 = arith.addf %add3A_269, %slice3A_270 : vector<1536x128xf32>
    %lt3A_272 = arith.cmpf olt, %add3A_271, %min3A_265 : vector<1536x128xf32>
    %jit3A_273 = arith.constant 23 : i32
    %broadcast_in_dim3A_274 = vector.broadcast %jit3A_273 : i32 to vector<1536x128xi32>
    %select_n3A_275 = arith.select %lt3A_272, %broadcast_in_dim3A_274, %select_n3A_264 : vector<1536x128xi1>, vector<1536x128xi32>
    %min3A_276 = arith.minimumf %min3A_265, %add3A_271 : vector<1536x128xf32>
    %slice3A_277 = vector.extract_strided_slice %get3A_14 {offsets = [0, 3072], sizes = [1, 128], strides = [1, 1]} : vector<1x8192xf32> to vector<1x128xf32>
    %add3A_278 = vector.broadcast %broadcast_in_dim3A : vector<1536x1xf32> to vector<1536x128xf32>
    %add3A_279 = vector.broadcast %slice3A_277 : vector<1x128xf32> to vector<1536x128xf32>
    %add3A_280 = arith.addf %add3A_278, %add3A_279 : vector<1536x128xf32>
    %slice3A_281 = vector.extract_strided_slice %dot_general3A_9 {offsets = [0, 3072], sizes = [1536, 128], strides = [1, 1]} : vector<1536x8192xf32> to vector<1536x128xf32>
    %add3A_282 = arith.addf %add3A_280, %slice3A_281 : vector<1536x128xf32>
    %lt3A_283 = arith.cmpf olt, %add3A_282, %min3A_276 : vector<1536x128xf32>
    %jit3A_284 = arith.constant 24 : i32
    %broadcast_in_dim3A_285 = vector.broadcast %jit3A_284 : i32 to vector<1536x128xi32>
    %select_n3A_286 = arith.select %lt3A_283, %broadcast_in_dim3A_285, %select_n3A_275 : vector<1536x128xi1>, vector<1536x128xi32>
    %min3A_287 = arith.minimumf %min3A_276, %add3A_282 : vector<1536x128xf32>
    %slice3A_288 = vector.extract_strided_slice %get3A_14 {offsets = [0, 3200], sizes = [1, 128], strides = [1, 1]} : vector<1x8192xf32> to vector<1x128xf32>
    %add3A_289 = vector.broadcast %broadcast_in_dim3A : vector<1536x1xf32> to vector<1536x128xf32>
    %add3A_290 = vector.broadcast %slice3A_288 : vector<1x128xf32> to vector<1536x128xf32>
    %add3A_291 = arith.addf %add3A_289, %add3A_290 : vector<1536x128xf32>
    %slice3A_292 = vector.extract_strided_slice %dot_general3A_9 {offsets = [0, 3200], sizes = [1536, 128], strides = [1, 1]} : vector<1536x8192xf32> to vector<1536x128xf32>
    %add3A_293 = arith.addf %add3A_291, %slice3A_292 : vector<1536x128xf32>
    %lt3A_294 = arith.cmpf olt, %add3A_293, %min3A_287 : vector<1536x128xf32>
    %jit3A_295 = arith.constant 25 : i32
    %broadcast_in_dim3A_296 = vector.broadcast %jit3A_295 : i32 to vector<1536x128xi32>
    %select_n3A_297 = arith.select %lt3A_294, %broadcast_in_dim3A_296, %select_n3A_286 : vector<1536x128xi1>, vector<1536x128xi32>
    %min3A_298 = arith.minimumf %min3A_287, %add3A_293 : vector<1536x128xf32>
    %slice3A_299 = vector.extract_strided_slice %get3A_14 {offsets = [0, 3328], sizes = [1, 128], strides = [1, 1]} : vector<1x8192xf32> to vector<1x128xf32>
    %add3A_300 = vector.broadcast %broadcast_in_dim3A : vector<1536x1xf32> to vector<1536x128xf32>
    %add3A_301 = vector.broadcast %slice3A_299 : vector<1x128xf32> to vector<1536x128xf32>
    %add3A_302 = arith.addf %add3A_300, %add3A_301 : vector<1536x128xf32>
    %slice3A_303 = vector.extract_strided_slice %dot_general3A_9 {offsets = [0, 3328], sizes = [1536, 128], strides = [1, 1]} : vector<1536x8192xf32> to vector<1536x128xf32>
    %add3A_304 = arith.addf %add3A_302, %slice3A_303 : vector<1536x128xf32>
    %lt3A_305 = arith.cmpf olt, %add3A_304, %min3A_298 : vector<1536x128xf32>
    %jit3A_306 = arith.constant 26 : i32
    %broadcast_in_dim3A_307 = vector.broadcast %jit3A_306 : i32 to vector<1536x128xi32>
    %select_n3A_308 = arith.select %lt3A_305, %broadcast_in_dim3A_307, %select_n3A_297 : vector<1536x128xi1>, vector<1536x128xi32>
    %min3A_309 = arith.minimumf %min3A_298, %add3A_304 : vector<1536x128xf32>
    %slice3A_310 = vector.extract_strided_slice %get3A_14 {offsets = [0, 3456], sizes = [1, 128], strides = [1, 1]} : vector<1x8192xf32> to vector<1x128xf32>
    %add3A_311 = vector.broadcast %broadcast_in_dim3A : vector<1536x1xf32> to vector<1536x128xf32>
    %add3A_312 = vector.broadcast %slice3A_310 : vector<1x128xf32> to vector<1536x128xf32>
    %add3A_313 = arith.addf %add3A_311, %add3A_312 : vector<1536x128xf32>
    %slice3A_314 = vector.extract_strided_slice %dot_general3A_9 {offsets = [0, 3456], sizes = [1536, 128], strides = [1, 1]} : vector<1536x8192xf32> to vector<1536x128xf32>
    %add3A_315 = arith.addf %add3A_313, %slice3A_314 : vector<1536x128xf32>
    %lt3A_316 = arith.cmpf olt, %add3A_315, %min3A_309 : vector<1536x128xf32>
    %jit3A_317 = arith.constant 27 : i32
    %broadcast_in_dim3A_318 = vector.broadcast %jit3A_317 : i32 to vector<1536x128xi32>
    %select_n3A_319 = arith.select %lt3A_316, %broadcast_in_dim3A_318, %select_n3A_308 : vector<1536x128xi1>, vector<1536x128xi32>
    %min3A_320 = arith.minimumf %min3A_309, %add3A_315 : vector<1536x128xf32>
    %slice3A_321 = vector.extract_strided_slice %get3A_14 {offsets = [0, 3584], sizes = [1, 128], strides = [1, 1]} : vector<1x8192xf32> to vector<1x128xf32>
    %add3A_322 = vector.broadcast %broadcast_in_dim3A : vector<1536x1xf32> to vector<1536x128xf32>
    %add3A_323 = vector.broadcast %slice3A_321 : vector<1x128xf32> to vector<1536x128xf32>
    %add3A_324 = arith.addf %add3A_322, %add3A_323 : vector<1536x128xf32>
    %slice3A_325 = vector.extract_strided_slice %dot_general3A_9 {offsets = [0, 3584], sizes = [1536, 128], strides = [1, 1]} : vector<1536x8192xf32> to vector<1536x128xf32>
    %add3A_326 = arith.addf %add3A_324, %slice3A_325 : vector<1536x128xf32>
    %lt3A_327 = arith.cmpf olt, %add3A_326, %min3A_320 : vector<1536x128xf32>
    %jit3A_328 = arith.constant 28 : i32
    %broadcast_in_dim3A_329 = vector.broadcast %jit3A_328 : i32 to vector<1536x128xi32>
    %select_n3A_330 = arith.select %lt3A_327, %broadcast_in_dim3A_329, %select_n3A_319 : vector<1536x128xi1>, vector<1536x128xi32>
    %min3A_331 = arith.minimumf %min3A_320, %add3A_326 : vector<1536x128xf32>
    %slice3A_332 = vector.extract_strided_slice %get3A_14 {offsets = [0, 3712], sizes = [1, 128], strides = [1, 1]} : vector<1x8192xf32> to vector<1x128xf32>
    %add3A_333 = vector.broadcast %broadcast_in_dim3A : vector<1536x1xf32> to vector<1536x128xf32>
    %add3A_334 = vector.broadcast %slice3A_332 : vector<1x128xf32> to vector<1536x128xf32>
    %add3A_335 = arith.addf %add3A_333, %add3A_334 : vector<1536x128xf32>
    %slice3A_336 = vector.extract_strided_slice %dot_general3A_9 {offsets = [0, 3712], sizes = [1536, 128], strides = [1, 1]} : vector<1536x8192xf32> to vector<1536x128xf32>
    %add3A_337 = arith.addf %add3A_335, %slice3A_336 : vector<1536x128xf32>
    %lt3A_338 = arith.cmpf olt, %add3A_337, %min3A_331 : vector<1536x128xf32>
    %jit3A_339 = arith.constant 29 : i32
    %broadcast_in_dim3A_340 = vector.broadcast %jit3A_339 : i32 to vector<1536x128xi32>
    %select_n3A_341 = arith.select %lt3A_338, %broadcast_in_dim3A_340, %select_n3A_330 : vector<1536x128xi1>, vector<1536x128xi32>
    %min3A_342 = arith.minimumf %min3A_331, %add3A_337 : vector<1536x128xf32>
    %slice3A_343 = vector.extract_strided_slice %get3A_14 {offsets = [0, 3840], sizes = [1, 128], strides = [1, 1]} : vector<1x8192xf32> to vector<1x128xf32>
    %add3A_344 = vector.broadcast %broadcast_in_dim3A : vector<1536x1xf32> to vector<1536x128xf32>
    %add3A_345 = vector.broadcast %slice3A_343 : vector<1x128xf32> to vector<1536x128xf32>
    %add3A_346 = arith.addf %add3A_344, %add3A_345 : vector<1536x128xf32>
    %slice3A_347 = vector.extract_strided_slice %dot_general3A_9 {offsets = [0, 3840], sizes = [1536, 128], strides = [1, 1]} : vector<1536x8192xf32> to vector<1536x128xf32>
    %add3A_348 = arith.addf %add3A_346, %slice3A_347 : vector<1536x128xf32>
    %lt3A_349 = arith.cmpf olt, %add3A_348, %min3A_342 : vector<1536x128xf32>
    %jit3A_350 = arith.constant 30 : i32
    %broadcast_in_dim3A_351 = vector.broadcast %jit3A_350 : i32 to vector<1536x128xi32>
    %select_n3A_352 = arith.select %lt3A_349, %broadcast_in_dim3A_351, %select_n3A_341 : vector<1536x128xi1>, vector<1536x128xi32>
    %min3A_353 = arith.minimumf %min3A_342, %add3A_348 : vector<1536x128xf32>
    %slice3A_354 = vector.extract_strided_slice %get3A_14 {offsets = [0, 3968], sizes = [1, 128], strides = [1, 1]} : vector<1x8192xf32> to vector<1x128xf32>
    %add3A_355 = vector.broadcast %broadcast_in_dim3A : vector<1536x1xf32> to vector<1536x128xf32>
    %add3A_356 = vector.broadcast %slice3A_354 : vector<1x128xf32> to vector<1536x128xf32>
    %add3A_357 = arith.addf %add3A_355, %add3A_356 : vector<1536x128xf32>
    %slice3A_358 = vector.extract_strided_slice %dot_general3A_9 {offsets = [0, 3968], sizes = [1536, 128], strides = [1, 1]} : vector<1536x8192xf32> to vector<1536x128xf32>
    %add3A_359 = arith.addf %add3A_357, %slice3A_358 : vector<1536x128xf32>
    %lt3A_360 = arith.cmpf olt, %add3A_359, %min3A_353 : vector<1536x128xf32>
    %jit3A_361 = arith.constant 31 : i32
    %broadcast_in_dim3A_362 = vector.broadcast %jit3A_361 : i32 to vector<1536x128xi32>
    %select_n3A_363 = arith.select %lt3A_360, %broadcast_in_dim3A_362, %select_n3A_352 : vector<1536x128xi1>, vector<1536x128xi32>
    %min3A_364 = arith.minimumf %min3A_353, %add3A_359 : vector<1536x128xf32>
    %slice3A_365 = vector.extract_strided_slice %get3A_14 {offsets = [0, 4096], sizes = [1, 128], strides = [1, 1]} : vector<1x8192xf32> to vector<1x128xf32>
    %add3A_366 = vector.broadcast %broadcast_in_dim3A : vector<1536x1xf32> to vector<1536x128xf32>
    %add3A_367 = vector.broadcast %slice3A_365 : vector<1x128xf32> to vector<1536x128xf32>
    %add3A_368 = arith.addf %add3A_366, %add3A_367 : vector<1536x128xf32>
    %slice3A_369 = vector.extract_strided_slice %dot_general3A_9 {offsets = [0, 4096], sizes = [1536, 128], strides = [1, 1]} : vector<1536x8192xf32> to vector<1536x128xf32>
    %add3A_370 = arith.addf %add3A_368, %slice3A_369 : vector<1536x128xf32>
    %lt3A_371 = arith.cmpf olt, %add3A_370, %min3A_364 : vector<1536x128xf32>
    %jit3A_372 = arith.constant 32 : i32
    %broadcast_in_dim3A_373 = vector.broadcast %jit3A_372 : i32 to vector<1536x128xi32>
    %select_n3A_374 = arith.select %lt3A_371, %broadcast_in_dim3A_373, %select_n3A_363 : vector<1536x128xi1>, vector<1536x128xi32>
    %min3A_375 = arith.minimumf %min3A_364, %add3A_370 : vector<1536x128xf32>
    %slice3A_376 = vector.extract_strided_slice %get3A_14 {offsets = [0, 4224], sizes = [1, 128], strides = [1, 1]} : vector<1x8192xf32> to vector<1x128xf32>
    %add3A_377 = vector.broadcast %broadcast_in_dim3A : vector<1536x1xf32> to vector<1536x128xf32>
    %add3A_378 = vector.broadcast %slice3A_376 : vector<1x128xf32> to vector<1536x128xf32>
    %add3A_379 = arith.addf %add3A_377, %add3A_378 : vector<1536x128xf32>
    %slice3A_380 = vector.extract_strided_slice %dot_general3A_9 {offsets = [0, 4224], sizes = [1536, 128], strides = [1, 1]} : vector<1536x8192xf32> to vector<1536x128xf32>
    %add3A_381 = arith.addf %add3A_379, %slice3A_380 : vector<1536x128xf32>
    %lt3A_382 = arith.cmpf olt, %add3A_381, %min3A_375 : vector<1536x128xf32>
    %jit3A_383 = arith.constant 33 : i32
    %broadcast_in_dim3A_384 = vector.broadcast %jit3A_383 : i32 to vector<1536x128xi32>
    %select_n3A_385 = arith.select %lt3A_382, %broadcast_in_dim3A_384, %select_n3A_374 : vector<1536x128xi1>, vector<1536x128xi32>
    %min3A_386 = arith.minimumf %min3A_375, %add3A_381 : vector<1536x128xf32>
    %slice3A_387 = vector.extract_strided_slice %get3A_14 {offsets = [0, 4352], sizes = [1, 128], strides = [1, 1]} : vector<1x8192xf32> to vector<1x128xf32>
    %add3A_388 = vector.broadcast %broadcast_in_dim3A : vector<1536x1xf32> to vector<1536x128xf32>
    %add3A_389 = vector.broadcast %slice3A_387 : vector<1x128xf32> to vector<1536x128xf32>
    %add3A_390 = arith.addf %add3A_388, %add3A_389 : vector<1536x128xf32>
    %slice3A_391 = vector.extract_strided_slice %dot_general3A_9 {offsets = [0, 4352], sizes = [1536, 128], strides = [1, 1]} : vector<1536x8192xf32> to vector<1536x128xf32>
    %add3A_392 = arith.addf %add3A_390, %slice3A_391 : vector<1536x128xf32>
    %lt3A_393 = arith.cmpf olt, %add3A_392, %min3A_386 : vector<1536x128xf32>
    %jit3A_394 = arith.constant 34 : i32
    %broadcast_in_dim3A_395 = vector.broadcast %jit3A_394 : i32 to vector<1536x128xi32>
    %select_n3A_396 = arith.select %lt3A_393, %broadcast_in_dim3A_395, %select_n3A_385 : vector<1536x128xi1>, vector<1536x128xi32>
    %min3A_397 = arith.minimumf %min3A_386, %add3A_392 : vector<1536x128xf32>
    %slice3A_398 = vector.extract_strided_slice %get3A_14 {offsets = [0, 4480], sizes = [1, 128], strides = [1, 1]} : vector<1x8192xf32> to vector<1x128xf32>
    %add3A_399 = vector.broadcast %broadcast_in_dim3A : vector<1536x1xf32> to vector<1536x128xf32>
    %add3A_400 = vector.broadcast %slice3A_398 : vector<1x128xf32> to vector<1536x128xf32>
    %add3A_401 = arith.addf %add3A_399, %add3A_400 : vector<1536x128xf32>
    %slice3A_402 = vector.extract_strided_slice %dot_general3A_9 {offsets = [0, 4480], sizes = [1536, 128], strides = [1, 1]} : vector<1536x8192xf32> to vector<1536x128xf32>
    %add3A_403 = arith.addf %add3A_401, %slice3A_402 : vector<1536x128xf32>
    %lt3A_404 = arith.cmpf olt, %add3A_403, %min3A_397 : vector<1536x128xf32>
    %jit3A_405 = arith.constant 35 : i32
    %broadcast_in_dim3A_406 = vector.broadcast %jit3A_405 : i32 to vector<1536x128xi32>
    %select_n3A_407 = arith.select %lt3A_404, %broadcast_in_dim3A_406, %select_n3A_396 : vector<1536x128xi1>, vector<1536x128xi32>
    %min3A_408 = arith.minimumf %min3A_397, %add3A_403 : vector<1536x128xf32>
    %slice3A_409 = vector.extract_strided_slice %get3A_14 {offsets = [0, 4608], sizes = [1, 128], strides = [1, 1]} : vector<1x8192xf32> to vector<1x128xf32>
    %add3A_410 = vector.broadcast %broadcast_in_dim3A : vector<1536x1xf32> to vector<1536x128xf32>
    %add3A_411 = vector.broadcast %slice3A_409 : vector<1x128xf32> to vector<1536x128xf32>
    %add3A_412 = arith.addf %add3A_410, %add3A_411 : vector<1536x128xf32>
    %slice3A_413 = vector.extract_strided_slice %dot_general3A_9 {offsets = [0, 4608], sizes = [1536, 128], strides = [1, 1]} : vector<1536x8192xf32> to vector<1536x128xf32>
    %add3A_414 = arith.addf %add3A_412, %slice3A_413 : vector<1536x128xf32>
    %lt3A_415 = arith.cmpf olt, %add3A_414, %min3A_408 : vector<1536x128xf32>
    %jit3A_416 = arith.constant 36 : i32
    %broadcast_in_dim3A_417 = vector.broadcast %jit3A_416 : i32 to vector<1536x128xi32>
    %select_n3A_418 = arith.select %lt3A_415, %broadcast_in_dim3A_417, %select_n3A_407 : vector<1536x128xi1>, vector<1536x128xi32>
    %min3A_419 = arith.minimumf %min3A_408, %add3A_414 : vector<1536x128xf32>
    %slice3A_420 = vector.extract_strided_slice %get3A_14 {offsets = [0, 4736], sizes = [1, 128], strides = [1, 1]} : vector<1x8192xf32> to vector<1x128xf32>
    %add3A_421 = vector.broadcast %broadcast_in_dim3A : vector<1536x1xf32> to vector<1536x128xf32>
    %add3A_422 = vector.broadcast %slice3A_420 : vector<1x128xf32> to vector<1536x128xf32>
    %add3A_423 = arith.addf %add3A_421, %add3A_422 : vector<1536x128xf32>
    %slice3A_424 = vector.extract_strided_slice %dot_general3A_9 {offsets = [0, 4736], sizes = [1536, 128], strides = [1, 1]} : vector<1536x8192xf32> to vector<1536x128xf32>
    %add3A_425 = arith.addf %add3A_423, %slice3A_424 : vector<1536x128xf32>
    %lt3A_426 = arith.cmpf olt, %add3A_425, %min3A_419 : vector<1536x128xf32>
    %jit3A_427 = arith.constant 37 : i32
    %broadcast_in_dim3A_428 = vector.broadcast %jit3A_427 : i32 to vector<1536x128xi32>
    %select_n3A_429 = arith.select %lt3A_426, %broadcast_in_dim3A_428, %select_n3A_418 : vector<1536x128xi1>, vector<1536x128xi32>
    %min3A_430 = arith.minimumf %min3A_419, %add3A_425 : vector<1536x128xf32>
    %slice3A_431 = vector.extract_strided_slice %get3A_14 {offsets = [0, 4864], sizes = [1, 128], strides = [1, 1]} : vector<1x8192xf32> to vector<1x128xf32>
    %add3A_432 = vector.broadcast %broadcast_in_dim3A : vector<1536x1xf32> to vector<1536x128xf32>
    %add3A_433 = vector.broadcast %slice3A_431 : vector<1x128xf32> to vector<1536x128xf32>
    %add3A_434 = arith.addf %add3A_432, %add3A_433 : vector<1536x128xf32>
    %slice3A_435 = vector.extract_strided_slice %dot_general3A_9 {offsets = [0, 4864], sizes = [1536, 128], strides = [1, 1]} : vector<1536x8192xf32> to vector<1536x128xf32>
    %add3A_436 = arith.addf %add3A_434, %slice3A_435 : vector<1536x128xf32>
    %lt3A_437 = arith.cmpf olt, %add3A_436, %min3A_430 : vector<1536x128xf32>
    %jit3A_438 = arith.constant 38 : i32
    %broadcast_in_dim3A_439 = vector.broadcast %jit3A_438 : i32 to vector<1536x128xi32>
    %select_n3A_440 = arith.select %lt3A_437, %broadcast_in_dim3A_439, %select_n3A_429 : vector<1536x128xi1>, vector<1536x128xi32>
    %min3A_441 = arith.minimumf %min3A_430, %add3A_436 : vector<1536x128xf32>
    %slice3A_442 = vector.extract_strided_slice %get3A_14 {offsets = [0, 4992], sizes = [1, 128], strides = [1, 1]} : vector<1x8192xf32> to vector<1x128xf32>
    %add3A_443 = vector.broadcast %broadcast_in_dim3A : vector<1536x1xf32> to vector<1536x128xf32>
    %add3A_444 = vector.broadcast %slice3A_442 : vector<1x128xf32> to vector<1536x128xf32>
    %add3A_445 = arith.addf %add3A_443, %add3A_444 : vector<1536x128xf32>
    %slice3A_446 = vector.extract_strided_slice %dot_general3A_9 {offsets = [0, 4992], sizes = [1536, 128], strides = [1, 1]} : vector<1536x8192xf32> to vector<1536x128xf32>
    %add3A_447 = arith.addf %add3A_445, %slice3A_446 : vector<1536x128xf32>
    %lt3A_448 = arith.cmpf olt, %add3A_447, %min3A_441 : vector<1536x128xf32>
    %jit3A_449 = arith.constant 39 : i32
    %broadcast_in_dim3A_450 = vector.broadcast %jit3A_449 : i32 to vector<1536x128xi32>
    %select_n3A_451 = arith.select %lt3A_448, %broadcast_in_dim3A_450, %select_n3A_440 : vector<1536x128xi1>, vector<1536x128xi32>
    %min3A_452 = arith.minimumf %min3A_441, %add3A_447 : vector<1536x128xf32>
    %slice3A_453 = vector.extract_strided_slice %get3A_14 {offsets = [0, 5120], sizes = [1, 128], strides = [1, 1]} : vector<1x8192xf32> to vector<1x128xf32>
    %add3A_454 = vector.broadcast %broadcast_in_dim3A : vector<1536x1xf32> to vector<1536x128xf32>
    %add3A_455 = vector.broadcast %slice3A_453 : vector<1x128xf32> to vector<1536x128xf32>
    %add3A_456 = arith.addf %add3A_454, %add3A_455 : vector<1536x128xf32>
    %slice3A_457 = vector.extract_strided_slice %dot_general3A_9 {offsets = [0, 5120], sizes = [1536, 128], strides = [1, 1]} : vector<1536x8192xf32> to vector<1536x128xf32>
    %add3A_458 = arith.addf %add3A_456, %slice3A_457 : vector<1536x128xf32>
    %lt3A_459 = arith.cmpf olt, %add3A_458, %min3A_452 : vector<1536x128xf32>
    %jit3A_460 = arith.constant 40 : i32
    %broadcast_in_dim3A_461 = vector.broadcast %jit3A_460 : i32 to vector<1536x128xi32>
    %select_n3A_462 = arith.select %lt3A_459, %broadcast_in_dim3A_461, %select_n3A_451 : vector<1536x128xi1>, vector<1536x128xi32>
    %min3A_463 = arith.minimumf %min3A_452, %add3A_458 : vector<1536x128xf32>
    %slice3A_464 = vector.extract_strided_slice %get3A_14 {offsets = [0, 5248], sizes = [1, 128], strides = [1, 1]} : vector<1x8192xf32> to vector<1x128xf32>
    %add3A_465 = vector.broadcast %broadcast_in_dim3A : vector<1536x1xf32> to vector<1536x128xf32>
    %add3A_466 = vector.broadcast %slice3A_464 : vector<1x128xf32> to vector<1536x128xf32>
    %add3A_467 = arith.addf %add3A_465, %add3A_466 : vector<1536x128xf32>
    %slice3A_468 = vector.extract_strided_slice %dot_general3A_9 {offsets = [0, 5248], sizes = [1536, 128], strides = [1, 1]} : vector<1536x8192xf32> to vector<1536x128xf32>
    %add3A_469 = arith.addf %add3A_467, %slice3A_468 : vector<1536x128xf32>
    %lt3A_470 = arith.cmpf olt, %add3A_469, %min3A_463 : vector<1536x128xf32>
    %jit3A_471 = arith.constant 41 : i32
    %broadcast_in_dim3A_472 = vector.broadcast %jit3A_471 : i32 to vector<1536x128xi32>
    %select_n3A_473 = arith.select %lt3A_470, %broadcast_in_dim3A_472, %select_n3A_462 : vector<1536x128xi1>, vector<1536x128xi32>
    %min3A_474 = arith.minimumf %min3A_463, %add3A_469 : vector<1536x128xf32>
    %slice3A_475 = vector.extract_strided_slice %get3A_14 {offsets = [0, 5376], sizes = [1, 128], strides = [1, 1]} : vector<1x8192xf32> to vector<1x128xf32>
    %add3A_476 = vector.broadcast %broadcast_in_dim3A : vector<1536x1xf32> to vector<1536x128xf32>
    %add3A_477 = vector.broadcast %slice3A_475 : vector<1x128xf32> to vector<1536x128xf32>
    %add3A_478 = arith.addf %add3A_476, %add3A_477 : vector<1536x128xf32>
    %slice3A_479 = vector.extract_strided_slice %dot_general3A_9 {offsets = [0, 5376], sizes = [1536, 128], strides = [1, 1]} : vector<1536x8192xf32> to vector<1536x128xf32>
    %add3A_480 = arith.addf %add3A_478, %slice3A_479 : vector<1536x128xf32>
    %lt3A_481 = arith.cmpf olt, %add3A_480, %min3A_474 : vector<1536x128xf32>
    %jit3A_482 = arith.constant 42 : i32
    %broadcast_in_dim3A_483 = vector.broadcast %jit3A_482 : i32 to vector<1536x128xi32>
    %select_n3A_484 = arith.select %lt3A_481, %broadcast_in_dim3A_483, %select_n3A_473 : vector<1536x128xi1>, vector<1536x128xi32>
    %min3A_485 = arith.minimumf %min3A_474, %add3A_480 : vector<1536x128xf32>
    %slice3A_486 = vector.extract_strided_slice %get3A_14 {offsets = [0, 5504], sizes = [1, 128], strides = [1, 1]} : vector<1x8192xf32> to vector<1x128xf32>
    %add3A_487 = vector.broadcast %broadcast_in_dim3A : vector<1536x1xf32> to vector<1536x128xf32>
    %add3A_488 = vector.broadcast %slice3A_486 : vector<1x128xf32> to vector<1536x128xf32>
    %add3A_489 = arith.addf %add3A_487, %add3A_488 : vector<1536x128xf32>
    %slice3A_490 = vector.extract_strided_slice %dot_general3A_9 {offsets = [0, 5504], sizes = [1536, 128], strides = [1, 1]} : vector<1536x8192xf32> to vector<1536x128xf32>
    %add3A_491 = arith.addf %add3A_489, %slice3A_490 : vector<1536x128xf32>
    %lt3A_492 = arith.cmpf olt, %add3A_491, %min3A_485 : vector<1536x128xf32>
    %jit3A_493 = arith.constant 43 : i32
    %broadcast_in_dim3A_494 = vector.broadcast %jit3A_493 : i32 to vector<1536x128xi32>
    %select_n3A_495 = arith.select %lt3A_492, %broadcast_in_dim3A_494, %select_n3A_484 : vector<1536x128xi1>, vector<1536x128xi32>
    %min3A_496 = arith.minimumf %min3A_485, %add3A_491 : vector<1536x128xf32>
    %slice3A_497 = vector.extract_strided_slice %get3A_14 {offsets = [0, 5632], sizes = [1, 128], strides = [1, 1]} : vector<1x8192xf32> to vector<1x128xf32>
    %add3A_498 = vector.broadcast %broadcast_in_dim3A : vector<1536x1xf32> to vector<1536x128xf32>
    %add3A_499 = vector.broadcast %slice3A_497 : vector<1x128xf32> to vector<1536x128xf32>
    %add3A_500 = arith.addf %add3A_498, %add3A_499 : vector<1536x128xf32>
    %slice3A_501 = vector.extract_strided_slice %dot_general3A_9 {offsets = [0, 5632], sizes = [1536, 128], strides = [1, 1]} : vector<1536x8192xf32> to vector<1536x128xf32>
    %add3A_502 = arith.addf %add3A_500, %slice3A_501 : vector<1536x128xf32>
    %lt3A_503 = arith.cmpf olt, %add3A_502, %min3A_496 : vector<1536x128xf32>
    %jit3A_504 = arith.constant 44 : i32
    %broadcast_in_dim3A_505 = vector.broadcast %jit3A_504 : i32 to vector<1536x128xi32>
    %select_n3A_506 = arith.select %lt3A_503, %broadcast_in_dim3A_505, %select_n3A_495 : vector<1536x128xi1>, vector<1536x128xi32>
    %min3A_507 = arith.minimumf %min3A_496, %add3A_502 : vector<1536x128xf32>
    %slice3A_508 = vector.extract_strided_slice %get3A_14 {offsets = [0, 5760], sizes = [1, 128], strides = [1, 1]} : vector<1x8192xf32> to vector<1x128xf32>
    %add3A_509 = vector.broadcast %broadcast_in_dim3A : vector<1536x1xf32> to vector<1536x128xf32>
    %add3A_510 = vector.broadcast %slice3A_508 : vector<1x128xf32> to vector<1536x128xf32>
    %add3A_511 = arith.addf %add3A_509, %add3A_510 : vector<1536x128xf32>
    %slice3A_512 = vector.extract_strided_slice %dot_general3A_9 {offsets = [0, 5760], sizes = [1536, 128], strides = [1, 1]} : vector<1536x8192xf32> to vector<1536x128xf32>
    %add3A_513 = arith.addf %add3A_511, %slice3A_512 : vector<1536x128xf32>
    %lt3A_514 = arith.cmpf olt, %add3A_513, %min3A_507 : vector<1536x128xf32>
    %jit3A_515 = arith.constant 45 : i32
    %broadcast_in_dim3A_516 = vector.broadcast %jit3A_515 : i32 to vector<1536x128xi32>
    %select_n3A_517 = arith.select %lt3A_514, %broadcast_in_dim3A_516, %select_n3A_506 : vector<1536x128xi1>, vector<1536x128xi32>
    %min3A_518 = arith.minimumf %min3A_507, %add3A_513 : vector<1536x128xf32>
    %slice3A_519 = vector.extract_strided_slice %get3A_14 {offsets = [0, 5888], sizes = [1, 128], strides = [1, 1]} : vector<1x8192xf32> to vector<1x128xf32>
    %add3A_520 = vector.broadcast %broadcast_in_dim3A : vector<1536x1xf32> to vector<1536x128xf32>
    %add3A_521 = vector.broadcast %slice3A_519 : vector<1x128xf32> to vector<1536x128xf32>
    %add3A_522 = arith.addf %add3A_520, %add3A_521 : vector<1536x128xf32>
    %slice3A_523 = vector.extract_strided_slice %dot_general3A_9 {offsets = [0, 5888], sizes = [1536, 128], strides = [1, 1]} : vector<1536x8192xf32> to vector<1536x128xf32>
    %add3A_524 = arith.addf %add3A_522, %slice3A_523 : vector<1536x128xf32>
    %lt3A_525 = arith.cmpf olt, %add3A_524, %min3A_518 : vector<1536x128xf32>
    %jit3A_526 = arith.constant 46 : i32
    %broadcast_in_dim3A_527 = vector.broadcast %jit3A_526 : i32 to vector<1536x128xi32>
    %select_n3A_528 = arith.select %lt3A_525, %broadcast_in_dim3A_527, %select_n3A_517 : vector<1536x128xi1>, vector<1536x128xi32>
    %min3A_529 = arith.minimumf %min3A_518, %add3A_524 : vector<1536x128xf32>
    %slice3A_530 = vector.extract_strided_slice %get3A_14 {offsets = [0, 6016], sizes = [1, 128], strides = [1, 1]} : vector<1x8192xf32> to vector<1x128xf32>
    %add3A_531 = vector.broadcast %broadcast_in_dim3A : vector<1536x1xf32> to vector<1536x128xf32>
    %add3A_532 = vector.broadcast %slice3A_530 : vector<1x128xf32> to vector<1536x128xf32>
    %add3A_533 = arith.addf %add3A_531, %add3A_532 : vector<1536x128xf32>
    %slice3A_534 = vector.extract_strided_slice %dot_general3A_9 {offsets = [0, 6016], sizes = [1536, 128], strides = [1, 1]} : vector<1536x8192xf32> to vector<1536x128xf32>
    %add3A_535 = arith.addf %add3A_533, %slice3A_534 : vector<1536x128xf32>
    %lt3A_536 = arith.cmpf olt, %add3A_535, %min3A_529 : vector<1536x128xf32>
    %jit3A_537 = arith.constant 47 : i32
    %broadcast_in_dim3A_538 = vector.broadcast %jit3A_537 : i32 to vector<1536x128xi32>
    %select_n3A_539 = arith.select %lt3A_536, %broadcast_in_dim3A_538, %select_n3A_528 : vector<1536x128xi1>, vector<1536x128xi32>
    %min3A_540 = arith.minimumf %min3A_529, %add3A_535 : vector<1536x128xf32>
    %slice3A_541 = vector.extract_strided_slice %get3A_14 {offsets = [0, 6144], sizes = [1, 128], strides = [1, 1]} : vector<1x8192xf32> to vector<1x128xf32>
    %add3A_542 = vector.broadcast %broadcast_in_dim3A : vector<1536x1xf32> to vector<1536x128xf32>
    %add3A_543 = vector.broadcast %slice3A_541 : vector<1x128xf32> to vector<1536x128xf32>
    %add3A_544 = arith.addf %add3A_542, %add3A_543 : vector<1536x128xf32>
    %slice3A_545 = vector.extract_strided_slice %dot_general3A_9 {offsets = [0, 6144], sizes = [1536, 128], strides = [1, 1]} : vector<1536x8192xf32> to vector<1536x128xf32>
    %add3A_546 = arith.addf %add3A_544, %slice3A_545 : vector<1536x128xf32>
    %lt3A_547 = arith.cmpf olt, %add3A_546, %min3A_540 : vector<1536x128xf32>
    %jit3A_548 = arith.constant 48 : i32
    %broadcast_in_dim3A_549 = vector.broadcast %jit3A_548 : i32 to vector<1536x128xi32>
    %select_n3A_550 = arith.select %lt3A_547, %broadcast_in_dim3A_549, %select_n3A_539 : vector<1536x128xi1>, vector<1536x128xi32>
    %min3A_551 = arith.minimumf %min3A_540, %add3A_546 : vector<1536x128xf32>
    %slice3A_552 = vector.extract_strided_slice %get3A_14 {offsets = [0, 6272], sizes = [1, 128], strides = [1, 1]} : vector<1x8192xf32> to vector<1x128xf32>
    %add3A_553 = vector.broadcast %broadcast_in_dim3A : vector<1536x1xf32> to vector<1536x128xf32>
    %add3A_554 = vector.broadcast %slice3A_552 : vector<1x128xf32> to vector<1536x128xf32>
    %add3A_555 = arith.addf %add3A_553, %add3A_554 : vector<1536x128xf32>
    %slice3A_556 = vector.extract_strided_slice %dot_general3A_9 {offsets = [0, 6272], sizes = [1536, 128], strides = [1, 1]} : vector<1536x8192xf32> to vector<1536x128xf32>
    %add3A_557 = arith.addf %add3A_555, %slice3A_556 : vector<1536x128xf32>
    %lt3A_558 = arith.cmpf olt, %add3A_557, %min3A_551 : vector<1536x128xf32>
    %jit3A_559 = arith.constant 49 : i32
    %broadcast_in_dim3A_560 = vector.broadcast %jit3A_559 : i32 to vector<1536x128xi32>
    %select_n3A_561 = arith.select %lt3A_558, %broadcast_in_dim3A_560, %select_n3A_550 : vector<1536x128xi1>, vector<1536x128xi32>
    %min3A_562 = arith.minimumf %min3A_551, %add3A_557 : vector<1536x128xf32>
    %slice3A_563 = vector.extract_strided_slice %get3A_14 {offsets = [0, 6400], sizes = [1, 128], strides = [1, 1]} : vector<1x8192xf32> to vector<1x128xf32>
    %add3A_564 = vector.broadcast %broadcast_in_dim3A : vector<1536x1xf32> to vector<1536x128xf32>
    %add3A_565 = vector.broadcast %slice3A_563 : vector<1x128xf32> to vector<1536x128xf32>
    %add3A_566 = arith.addf %add3A_564, %add3A_565 : vector<1536x128xf32>
    %slice3A_567 = vector.extract_strided_slice %dot_general3A_9 {offsets = [0, 6400], sizes = [1536, 128], strides = [1, 1]} : vector<1536x8192xf32> to vector<1536x128xf32>
    %add3A_568 = arith.addf %add3A_566, %slice3A_567 : vector<1536x128xf32>
    %lt3A_569 = arith.cmpf olt, %add3A_568, %min3A_562 : vector<1536x128xf32>
    %jit3A_570 = arith.constant 50 : i32
    %broadcast_in_dim3A_571 = vector.broadcast %jit3A_570 : i32 to vector<1536x128xi32>
    %select_n3A_572 = arith.select %lt3A_569, %broadcast_in_dim3A_571, %select_n3A_561 : vector<1536x128xi1>, vector<1536x128xi32>
    %min3A_573 = arith.minimumf %min3A_562, %add3A_568 : vector<1536x128xf32>
    %slice3A_574 = vector.extract_strided_slice %get3A_14 {offsets = [0, 6528], sizes = [1, 128], strides = [1, 1]} : vector<1x8192xf32> to vector<1x128xf32>
    %add3A_575 = vector.broadcast %broadcast_in_dim3A : vector<1536x1xf32> to vector<1536x128xf32>
    %add3A_576 = vector.broadcast %slice3A_574 : vector<1x128xf32> to vector<1536x128xf32>
    %add3A_577 = arith.addf %add3A_575, %add3A_576 : vector<1536x128xf32>
    %slice3A_578 = vector.extract_strided_slice %dot_general3A_9 {offsets = [0, 6528], sizes = [1536, 128], strides = [1, 1]} : vector<1536x8192xf32> to vector<1536x128xf32>
    %add3A_579 = arith.addf %add3A_577, %slice3A_578 : vector<1536x128xf32>
    %lt3A_580 = arith.cmpf olt, %add3A_579, %min3A_573 : vector<1536x128xf32>
    %jit3A_581 = arith.constant 51 : i32
    %broadcast_in_dim3A_582 = vector.broadcast %jit3A_581 : i32 to vector<1536x128xi32>
    %select_n3A_583 = arith.select %lt3A_580, %broadcast_in_dim3A_582, %select_n3A_572 : vector<1536x128xi1>, vector<1536x128xi32>
    %min3A_584 = arith.minimumf %min3A_573, %add3A_579 : vector<1536x128xf32>
    %slice3A_585 = vector.extract_strided_slice %get3A_14 {offsets = [0, 6656], sizes = [1, 128], strides = [1, 1]} : vector<1x8192xf32> to vector<1x128xf32>
    %add3A_586 = vector.broadcast %broadcast_in_dim3A : vector<1536x1xf32> to vector<1536x128xf32>
    %add3A_587 = vector.broadcast %slice3A_585 : vector<1x128xf32> to vector<1536x128xf32>
    %add3A_588 = arith.addf %add3A_586, %add3A_587 : vector<1536x128xf32>
    %slice3A_589 = vector.extract_strided_slice %dot_general3A_9 {offsets = [0, 6656], sizes = [1536, 128], strides = [1, 1]} : vector<1536x8192xf32> to vector<1536x128xf32>
    %add3A_590 = arith.addf %add3A_588, %slice3A_589 : vector<1536x128xf32>
    %lt3A_591 = arith.cmpf olt, %add3A_590, %min3A_584 : vector<1536x128xf32>
    %jit3A_592 = arith.constant 52 : i32
    %broadcast_in_dim3A_593 = vector.broadcast %jit3A_592 : i32 to vector<1536x128xi32>
    %select_n3A_594 = arith.select %lt3A_591, %broadcast_in_dim3A_593, %select_n3A_583 : vector<1536x128xi1>, vector<1536x128xi32>
    %min3A_595 = arith.minimumf %min3A_584, %add3A_590 : vector<1536x128xf32>
    %slice3A_596 = vector.extract_strided_slice %get3A_14 {offsets = [0, 6784], sizes = [1, 128], strides = [1, 1]} : vector<1x8192xf32> to vector<1x128xf32>
    %add3A_597 = vector.broadcast %broadcast_in_dim3A : vector<1536x1xf32> to vector<1536x128xf32>
    %add3A_598 = vector.broadcast %slice3A_596 : vector<1x128xf32> to vector<1536x128xf32>
    %add3A_599 = arith.addf %add3A_597, %add3A_598 : vector<1536x128xf32>
    %slice3A_600 = vector.extract_strided_slice %dot_general3A_9 {offsets = [0, 6784], sizes = [1536, 128], strides = [1, 1]} : vector<1536x8192xf32> to vector<1536x128xf32>
    %add3A_601 = arith.addf %add3A_599, %slice3A_600 : vector<1536x128xf32>
    %lt3A_602 = arith.cmpf olt, %add3A_601, %min3A_595 : vector<1536x128xf32>
    %jit3A_603 = arith.constant 53 : i32
    %broadcast_in_dim3A_604 = vector.broadcast %jit3A_603 : i32 to vector<1536x128xi32>
    %select_n3A_605 = arith.select %lt3A_602, %broadcast_in_dim3A_604, %select_n3A_594 : vector<1536x128xi1>, vector<1536x128xi32>
    %min3A_606 = arith.minimumf %min3A_595, %add3A_601 : vector<1536x128xf32>
    %slice3A_607 = vector.extract_strided_slice %get3A_14 {offsets = [0, 6912], sizes = [1, 128], strides = [1, 1]} : vector<1x8192xf32> to vector<1x128xf32>
    %add3A_608 = vector.broadcast %broadcast_in_dim3A : vector<1536x1xf32> to vector<1536x128xf32>
    %add3A_609 = vector.broadcast %slice3A_607 : vector<1x128xf32> to vector<1536x128xf32>
    %add3A_610 = arith.addf %add3A_608, %add3A_609 : vector<1536x128xf32>
    %slice3A_611 = vector.extract_strided_slice %dot_general3A_9 {offsets = [0, 6912], sizes = [1536, 128], strides = [1, 1]} : vector<1536x8192xf32> to vector<1536x128xf32>
    %add3A_612 = arith.addf %add3A_610, %slice3A_611 : vector<1536x128xf32>
    %lt3A_613 = arith.cmpf olt, %add3A_612, %min3A_606 : vector<1536x128xf32>
    %jit3A_614 = arith.constant 54 : i32
    %broadcast_in_dim3A_615 = vector.broadcast %jit3A_614 : i32 to vector<1536x128xi32>
    %select_n3A_616 = arith.select %lt3A_613, %broadcast_in_dim3A_615, %select_n3A_605 : vector<1536x128xi1>, vector<1536x128xi32>
    %min3A_617 = arith.minimumf %min3A_606, %add3A_612 : vector<1536x128xf32>
    %slice3A_618 = vector.extract_strided_slice %get3A_14 {offsets = [0, 7040], sizes = [1, 128], strides = [1, 1]} : vector<1x8192xf32> to vector<1x128xf32>
    %add3A_619 = vector.broadcast %broadcast_in_dim3A : vector<1536x1xf32> to vector<1536x128xf32>
    %add3A_620 = vector.broadcast %slice3A_618 : vector<1x128xf32> to vector<1536x128xf32>
    %add3A_621 = arith.addf %add3A_619, %add3A_620 : vector<1536x128xf32>
    %slice3A_622 = vector.extract_strided_slice %dot_general3A_9 {offsets = [0, 7040], sizes = [1536, 128], strides = [1, 1]} : vector<1536x8192xf32> to vector<1536x128xf32>
    %add3A_623 = arith.addf %add3A_621, %slice3A_622 : vector<1536x128xf32>
    %lt3A_624 = arith.cmpf olt, %add3A_623, %min3A_617 : vector<1536x128xf32>
    %jit3A_625 = arith.constant 55 : i32
    %broadcast_in_dim3A_626 = vector.broadcast %jit3A_625 : i32 to vector<1536x128xi32>
    %select_n3A_627 = arith.select %lt3A_624, %broadcast_in_dim3A_626, %select_n3A_616 : vector<1536x128xi1>, vector<1536x128xi32>
    %min3A_628 = arith.minimumf %min3A_617, %add3A_623 : vector<1536x128xf32>
    %slice3A_629 = vector.extract_strided_slice %get3A_14 {offsets = [0, 7168], sizes = [1, 128], strides = [1, 1]} : vector<1x8192xf32> to vector<1x128xf32>
    %add3A_630 = vector.broadcast %broadcast_in_dim3A : vector<1536x1xf32> to vector<1536x128xf32>
    %add3A_631 = vector.broadcast %slice3A_629 : vector<1x128xf32> to vector<1536x128xf32>
    %add3A_632 = arith.addf %add3A_630, %add3A_631 : vector<1536x128xf32>
    %slice3A_633 = vector.extract_strided_slice %dot_general3A_9 {offsets = [0, 7168], sizes = [1536, 128], strides = [1, 1]} : vector<1536x8192xf32> to vector<1536x128xf32>
    %add3A_634 = arith.addf %add3A_632, %slice3A_633 : vector<1536x128xf32>
    %lt3A_635 = arith.cmpf olt, %add3A_634, %min3A_628 : vector<1536x128xf32>
    %jit3A_636 = arith.constant 56 : i32
    %broadcast_in_dim3A_637 = vector.broadcast %jit3A_636 : i32 to vector<1536x128xi32>
    %select_n3A_638 = arith.select %lt3A_635, %broadcast_in_dim3A_637, %select_n3A_627 : vector<1536x128xi1>, vector<1536x128xi32>
    %min3A_639 = arith.minimumf %min3A_628, %add3A_634 : vector<1536x128xf32>
    %slice3A_640 = vector.extract_strided_slice %get3A_14 {offsets = [0, 7296], sizes = [1, 128], strides = [1, 1]} : vector<1x8192xf32> to vector<1x128xf32>
    %add3A_641 = vector.broadcast %broadcast_in_dim3A : vector<1536x1xf32> to vector<1536x128xf32>
    %add3A_642 = vector.broadcast %slice3A_640 : vector<1x128xf32> to vector<1536x128xf32>
    %add3A_643 = arith.addf %add3A_641, %add3A_642 : vector<1536x128xf32>
    %slice3A_644 = vector.extract_strided_slice %dot_general3A_9 {offsets = [0, 7296], sizes = [1536, 128], strides = [1, 1]} : vector<1536x8192xf32> to vector<1536x128xf32>
    %add3A_645 = arith.addf %add3A_643, %slice3A_644 : vector<1536x128xf32>
    %lt3A_646 = arith.cmpf olt, %add3A_645, %min3A_639 : vector<1536x128xf32>
    %jit3A_647 = arith.constant 57 : i32
    %broadcast_in_dim3A_648 = vector.broadcast %jit3A_647 : i32 to vector<1536x128xi32>
    %select_n3A_649 = arith.select %lt3A_646, %broadcast_in_dim3A_648, %select_n3A_638 : vector<1536x128xi1>, vector<1536x128xi32>
    %min3A_650 = arith.minimumf %min3A_639, %add3A_645 : vector<1536x128xf32>
    %slice3A_651 = vector.extract_strided_slice %get3A_14 {offsets = [0, 7424], sizes = [1, 128], strides = [1, 1]} : vector<1x8192xf32> to vector<1x128xf32>
    %add3A_652 = vector.broadcast %broadcast_in_dim3A : vector<1536x1xf32> to vector<1536x128xf32>
    %add3A_653 = vector.broadcast %slice3A_651 : vector<1x128xf32> to vector<1536x128xf32>
    %add3A_654 = arith.addf %add3A_652, %add3A_653 : vector<1536x128xf32>
    %slice3A_655 = vector.extract_strided_slice %dot_general3A_9 {offsets = [0, 7424], sizes = [1536, 128], strides = [1, 1]} : vector<1536x8192xf32> to vector<1536x128xf32>
    %add3A_656 = arith.addf %add3A_654, %slice3A_655 : vector<1536x128xf32>
    %lt3A_657 = arith.cmpf olt, %add3A_656, %min3A_650 : vector<1536x128xf32>
    %jit3A_658 = arith.constant 58 : i32
    %broadcast_in_dim3A_659 = vector.broadcast %jit3A_658 : i32 to vector<1536x128xi32>
    %select_n3A_660 = arith.select %lt3A_657, %broadcast_in_dim3A_659, %select_n3A_649 : vector<1536x128xi1>, vector<1536x128xi32>
    %min3A_661 = arith.minimumf %min3A_650, %add3A_656 : vector<1536x128xf32>
    %slice3A_662 = vector.extract_strided_slice %get3A_14 {offsets = [0, 7552], sizes = [1, 128], strides = [1, 1]} : vector<1x8192xf32> to vector<1x128xf32>
    %add3A_663 = vector.broadcast %broadcast_in_dim3A : vector<1536x1xf32> to vector<1536x128xf32>
    %add3A_664 = vector.broadcast %slice3A_662 : vector<1x128xf32> to vector<1536x128xf32>
    %add3A_665 = arith.addf %add3A_663, %add3A_664 : vector<1536x128xf32>
    %slice3A_666 = vector.extract_strided_slice %dot_general3A_9 {offsets = [0, 7552], sizes = [1536, 128], strides = [1, 1]} : vector<1536x8192xf32> to vector<1536x128xf32>
    %add3A_667 = arith.addf %add3A_665, %slice3A_666 : vector<1536x128xf32>
    %lt3A_668 = arith.cmpf olt, %add3A_667, %min3A_661 : vector<1536x128xf32>
    %jit3A_669 = arith.constant 59 : i32
    %broadcast_in_dim3A_670 = vector.broadcast %jit3A_669 : i32 to vector<1536x128xi32>
    %select_n3A_671 = arith.select %lt3A_668, %broadcast_in_dim3A_670, %select_n3A_660 : vector<1536x128xi1>, vector<1536x128xi32>
    %min3A_672 = arith.minimumf %min3A_661, %add3A_667 : vector<1536x128xf32>
    %slice3A_673 = vector.extract_strided_slice %get3A_14 {offsets = [0, 7680], sizes = [1, 128], strides = [1, 1]} : vector<1x8192xf32> to vector<1x128xf32>
    %add3A_674 = vector.broadcast %broadcast_in_dim3A : vector<1536x1xf32> to vector<1536x128xf32>
    %add3A_675 = vector.broadcast %slice3A_673 : vector<1x128xf32> to vector<1536x128xf32>
    %add3A_676 = arith.addf %add3A_674, %add3A_675 : vector<1536x128xf32>
    %slice3A_677 = vector.extract_strided_slice %dot_general3A_9 {offsets = [0, 7680], sizes = [1536, 128], strides = [1, 1]} : vector<1536x8192xf32> to vector<1536x128xf32>
    %add3A_678 = arith.addf %add3A_676, %slice3A_677 : vector<1536x128xf32>
    %lt3A_679 = arith.cmpf olt, %add3A_678, %min3A_672 : vector<1536x128xf32>
    %jit3A_680 = arith.constant 60 : i32
    %broadcast_in_dim3A_681 = vector.broadcast %jit3A_680 : i32 to vector<1536x128xi32>
    %select_n3A_682 = arith.select %lt3A_679, %broadcast_in_dim3A_681, %select_n3A_671 : vector<1536x128xi1>, vector<1536x128xi32>
    %min3A_683 = arith.minimumf %min3A_672, %add3A_678 : vector<1536x128xf32>
    %slice3A_684 = vector.extract_strided_slice %get3A_14 {offsets = [0, 7808], sizes = [1, 128], strides = [1, 1]} : vector<1x8192xf32> to vector<1x128xf32>
    %add3A_685 = vector.broadcast %broadcast_in_dim3A : vector<1536x1xf32> to vector<1536x128xf32>
    %add3A_686 = vector.broadcast %slice3A_684 : vector<1x128xf32> to vector<1536x128xf32>
    %add3A_687 = arith.addf %add3A_685, %add3A_686 : vector<1536x128xf32>
    %slice3A_688 = vector.extract_strided_slice %dot_general3A_9 {offsets = [0, 7808], sizes = [1536, 128], strides = [1, 1]} : vector<1536x8192xf32> to vector<1536x128xf32>
    %add3A_689 = arith.addf %add3A_687, %slice3A_688 : vector<1536x128xf32>
    %lt3A_690 = arith.cmpf olt, %add3A_689, %min3A_683 : vector<1536x128xf32>
    %jit3A_691 = arith.constant 61 : i32
    %broadcast_in_dim3A_692 = vector.broadcast %jit3A_691 : i32 to vector<1536x128xi32>
    %select_n3A_693 = arith.select %lt3A_690, %broadcast_in_dim3A_692, %select_n3A_682 : vector<1536x128xi1>, vector<1536x128xi32>
    %min3A_694 = arith.minimumf %min3A_683, %add3A_689 : vector<1536x128xf32>
    %slice3A_695 = vector.extract_strided_slice %get3A_14 {offsets = [0, 7936], sizes = [1, 128], strides = [1, 1]} : vector<1x8192xf32> to vector<1x128xf32>
    %add3A_696 = vector.broadcast %broadcast_in_dim3A : vector<1536x1xf32> to vector<1536x128xf32>
    %add3A_697 = vector.broadcast %slice3A_695 : vector<1x128xf32> to vector<1536x128xf32>
    %add3A_698 = arith.addf %add3A_696, %add3A_697 : vector<1536x128xf32>
    %slice3A_699 = vector.extract_strided_slice %dot_general3A_9 {offsets = [0, 7936], sizes = [1536, 128], strides = [1, 1]} : vector<1536x8192xf32> to vector<1536x128xf32>
    %add3A_700 = arith.addf %add3A_698, %slice3A_699 : vector<1536x128xf32>
    %lt3A_701 = arith.cmpf olt, %add3A_700, %min3A_694 : vector<1536x128xf32>
    %jit3A_702 = arith.constant 62 : i32
    %broadcast_in_dim3A_703 = vector.broadcast %jit3A_702 : i32 to vector<1536x128xi32>
    %select_n3A_704 = arith.select %lt3A_701, %broadcast_in_dim3A_703, %select_n3A_693 : vector<1536x128xi1>, vector<1536x128xi32>
    %min3A_705 = arith.minimumf %min3A_694, %add3A_700 : vector<1536x128xf32>
    %slice3A_706 = vector.extract_strided_slice %get3A_14 {offsets = [0, 8064], sizes = [1, 128], strides = [1, 1]} : vector<1x8192xf32> to vector<1x128xf32>
    %add3A_707 = vector.broadcast %broadcast_in_dim3A : vector<1536x1xf32> to vector<1536x128xf32>
    %add3A_708 = vector.broadcast %slice3A_706 : vector<1x128xf32> to vector<1536x128xf32>
    %add3A_709 = arith.addf %add3A_707, %add3A_708 : vector<1536x128xf32>
    %slice3A_710 = vector.extract_strided_slice %dot_general3A_9 {offsets = [0, 8064], sizes = [1536, 128], strides = [1, 1]} : vector<1536x8192xf32> to vector<1536x128xf32>
    %add3A_711 = arith.addf %add3A_709, %slice3A_710 : vector<1536x128xf32>
    %lt3A_712 = arith.cmpf olt, %add3A_711, %min3A_705 : vector<1536x128xf32>
    %jit3A_713 = arith.constant 63 : i32
    %broadcast_in_dim3A_714 = vector.broadcast %jit3A_713 : i32 to vector<1536x128xi32>
    %select_n3A_715 = arith.select %lt3A_712, %broadcast_in_dim3A_714, %select_n3A_704 : vector<1536x128xi1>, vector<1536x128xi32>
    %min3A_716 = arith.minimumf %min3A_705, %add3A_711 : vector<1536x128xf32>
    %reduce_min3A = arith.constant dense<0x7F800000> : vector<1536xf32>
    %reduce_min3A_717 = vector.multi_reduction <minimumf>, %min3A_716, %reduce_min3A [1] : vector<1536x128xf32> to vector<1536xf32>
    %broadcast_in_dim3A_718 = vector.shape_cast %reduce_min3A_717 : vector<1536xf32> to vector<1536x1xf32>
    %iota3A = tpu.iota {dimensions = array<i32: 1>} : vector<1536x128xi32>
    %mul3A_719 = arith.constant 128 : i32
    %mul3A_720 = vector.broadcast %mul3A_719 : i32 to vector<1536x128xi32>
    %mul3A_721 = arith.muli %select_n3A_715, %mul3A_720 : vector<1536x128xi32>
    %add3A_722 = arith.addi %mul3A_721, %iota3A : vector<1536x128xi32>
    %eq3A_723 = vector.broadcast %broadcast_in_dim3A_718 : vector<1536x1xf32> to vector<1536x128xf32>
    %eq3A_724 = arith.cmpf oeq, %min3A_716, %eq3A_723 : vector<1536x128xf32>
    %jit3A_725 = arith.constant 1073741824 : i32
    %broadcast_in_dim3A_726 = vector.broadcast %jit3A_725 : i32 to vector<1536x128xi32>
    %select_n3A_727 = arith.select %eq3A_724, %add3A_722, %broadcast_in_dim3A_726 : vector<1536x128xi1>, vector<1536x128xi32>
    %reduce_min3A_728 = arith.constant dense<2147483647> : vector<1536xi32>
    %reduce_min3A_729 = vector.multi_reduction <minsi>, %select_n3A_727, %reduce_min3A_728 [1] : vector<1536x128xi32> to vector<1536xi32>
    %broadcast_in_dim3A_730 = vector.shape_cast %reduce_min3A_729 : vector<1536xi32> to vector<1536x1xi32>
    %swap3A = arith.constant 0 : index
    %swap3A_731 = arith.constant 0 : index
    %swap3A_732 = vector.load %arg5[%swap3A, %swap3A_731] : memref<1536x1xi32, #tpu.memory_space<vmem>>, vector<1536x1xi32>
    tpu.vector_store %arg5[%swap3A, %swap3A_731], %broadcast_in_dim3A_730 {strides = array<i32>} : memref<1536x1xi32, #tpu.memory_space<vmem>>, vector<1536x1xi32>,
    return
  }
  func.func @transform_0(%arg0: i32) -> (i32, i32) {
    %c0_i32 = arith.constant 0 : i32
    %c0_i32_0 = arith.constant 0 : i32
    return %arg0, %c0_i32 : i32, i32
  }
  func.func @transform_1(%arg0: i32) -> (i32, i32) {
    %c0_i32 = arith.constant 0 : i32
    %c0_i32_0 = arith.constant 0 : i32
    %c0_i32_1 = arith.constant 0 : i32
    return %c0_i32, %c0_i32_0 : i32, i32
  }
  func.func @transform_2(%arg0: i32) -> (i32, i32) {
    %c0_i32 = arith.constant 0 : i32
    %c0_i32_0 = arith.constant 0 : i32
    %c0_i32_1 = arith.constant 0 : i32
    return %c0_i32, %c0_i32_0 : i32, i32
  }
  func.func @transform_3(%arg0: i32) -> (i32, i32) {
    %c0_i32 = arith.constant 0 : i32
    %c0_i32_0 = arith.constant 0 : i32
    %c0_i32_1 = arith.constant 0 : i32
    return %c0_i32, %c0_i32_0 : i32, i32
  }
  func.func @transform_4(%arg0: i32) -> (i32, i32) {
    %c0_i32 = arith.constant 0 : i32
    %c0_i32_0 = arith.constant 0 : i32
    return %arg0, %c0_i32 : i32, i32
  }
  func.func @transform_5(%arg0: i32) -> (i32, i32) {
    %c0_i32 = arith.constant 0 : i32
    %c0_i32_0 = arith.constant 0 : i32
    %c0_i32_1 = arith.constant 0 : i32
    return %c0_i32, %c0_i32_0 : i32, i32
  }
}

</mosaic_0001>

<sc_bundles>
// kernel: kernel.4.cloned.1.call-start
scs
__scs_entry_jumppad:
0x0: {  	(pc) =	sbr.rel $0x88, $3  }
0x1: {  	(tag) =	ssettag $0x0;
	lr =	simm.s32 $0x1  }
0x2: {  	[smem:$0x3F9D] =	sst lr;
	_ =	strace $0xD0000000  }
0x3: {  	_ = 	snop  }
0x4: {  	_ = 	snop  }
0x5: {  	_ = 	snop  }
0x6: {  	_ = 	snop  }
0x7: {  	_ = 	snop  }
__scs_overlays_trampoline_lowered:
0x8: {  	[smem:$0x3FAC] =	sst s0  }
0x9: {  	[smem:$0x3FAD] =	sst s1  }
0xa: {  	[smem:$0x3FAE] =	sst s2  }
0xb: {  	[smem:$0x3FAF] =	sst s3  }
0xc: {  	[smem:$0x3FB0] =	sst s4  }
0xd: {  	[smem:$0x3FB1] =	sst s5  }
0xe: {  	[smem:$0x3FB2] =	sst s6  }
0xf: {  	[smem:$0x3FB3] =	sst s7  }
0x10: {  	[smem:$0x3FB4] =	sst s8  }
0x11: {  	[smem:$0x3FB5] =	sst s9;
	s0 =	simm.s32 @!p0 $0x0  }
0x12: {  	s1 =	sld [smem:$0x3F9B];
	s0 =	simm.s32 @p0 $0x1  }
0x13: {  	[smem:$0x3FB6] =	sst s0;
	s0 =	simm.s32 @!p1 $0x0  }
0x14: {  	s2 =	sld [smem:$0x3F9A];
	s0 =	simm.s32 @p1 $0x1  }
0x15: {  	[smem:$0x3FB7] =	sst s0;
	s0 =	simm.s32 @!p2 $0x0  }
0x16: {  	s3 =	sld [smem:$0x3FDB];
	s0 =	simm.s32 @p2 $0x1  }
0x17: {  	s4 =	simm.s32 $0x1BF5;
	[smem:$0x3FB9] =	sst s0  }
0x18: {  	s0 =	sld [smem:$0x3F9C];
	_ =	swait.ge [sflag:s4], $0x0  }
0x19: {  	s7 =	sld [smem:$0x3F9D]  }
0x1a: {  	s8 =	sadd.s32 $0xFFFFE003, lr  }
0x1b: {  	s9 =	sadd.s32 $0xFFFFFEF7, lr;
	s5 =	simm.s32 $0xFFFFFFFF;
	p2 =	slt.u32 s8, $0xFFFFF086  }
0x1c: {  	p1 =	slt.u32 s9, $0xF7A;
	s5 =	simm.s32 @!p2 $0x0  }
0x1d: {  	s5 =	simm.s32 @p1 $0x1;
	p0 =	seq.s32 s7, s2  }
0x1e: {  	s7 =	smul.u32 @!p0 $0xF7A, s2;
	p2 =	seq.s32 @!p0 s5, $0x0  }
0x1f: {  	s9 =	smul.u32 $0xF7A, s1;
	s8 =	simm.s32 @!p0 $0x1BF5;
	p2 =	por !p2, p0  }
0x20: {  	[sflag:s8] =	ssyncset.s32 @!p0 $0xFFFFF086;
	s6 =	sadd.s32 @!p0 s3, s7;
	s7 =	simm.s32 @!p0 $0x108  }
0x21: {  	s3 =	sadd.s32 s3, s9;
	s6 =	sadd.s32 @!p0 $0x88, s6;
	s7 =	simm.s32 @p2 $0x1082  }
0x22: {  	[simem:s7], [sflag:s8] =	dma.local @!p0 [hbm:s6], $0xF7A  }
0x23: {  	s9 =	sor.u32 $0xD0000000, s2;
	s6 =	simm.s32 $0x108;
	_ =	swait.ge @!p0 [sflag:s8], $0x0  }
0x24: {  	s3 =	sadd.s32 $0x88, s3;
	s6 =	simm.s32 @!p1 $0x1082;
	[sflag:s4] =	ssyncset.s32 $0xFFFFF086  }
0x25: {  	[simem:s6], [sflag:s4] =	dma.local [hbm:s3], $0xF7A  }
0x26: {  	[smem:$0x3F9D] =	sst s1;
	(tag) =	ssettag s2;
	_ =	strace s9  }
0x27: {  	s1 =	sld [smem:$0x3FAD]  }
0x28: {  	s2 =	sld [smem:$0x3FAE]  }
0x29: {  	s4 =	sld [smem:$0x3FB0]  }
0x2a: {  	p0 =	seq.s32 s5, $0x0;
	s5 =	sld [smem:$0x3FB1]  }
0x2b: {  	s6 =	sld [smem:$0x3FB2]  }
0x2c: {  	s7 =	sld [smem:$0x3FB3]  }
0x2d: {  	s3 =	simm.s32 $0x108;
	s8 =	sld [smem:$0x3FB4]  }
0x2e: {  	s3 =	simm.s32 @!p0 $0x1082;
	s9 =	sld [smem:$0x3FB5]  }
0x2f: {  	lr =	sadd.s32 s0, s3;
	s0 =	sld [smem:$0x3FAC]  }
0x30: {  	s3 =	sld [smem:$0x3FAF]  }
0x31: {  	[smem:$0x3FB8] =	sst s10  }
0x32: {  	s10 =	sld [smem:$0x3FB6];
	_ =	sdelay $0x3  }
0x33: {  	p0 =	seq.s32 s10, $0x1;
	s10 =	sld [smem:$0x3FB8];
	_ =	sdelay $0x3  }
0x34: {  	[smem:$0x3FB8] =	sst s10  }
0x35: {  	s10 =	sld [smem:$0x3FB7];
	_ =	sdelay $0x3  }
0x36: {  	p1 =	seq.s32 s10, $0x1;
	s10 =	sld [smem:$0x3FB8];
	_ =	sdelay $0x3  }
0x37: {  	[smem:$0x3FB8] =	sst s10  }
0x38: {  	s10 =	sld [smem:$0x3FB9]  }
0x39: {  	_ = 	snop;
	(pc) =	sbr.ind lr, $3  }
0x3a: {  	_ = 	snop  }
0x3b: {  	_ = 	snop  }
0x3c: {  	p2 =	seq.s32 s10, $0x1;
	s10 =	sld [smem:$0x3FB8]  }
0x3d: {  	_ =	shalt  }
0x3e: {  	_ =	shalt  }
0x3f: {  	_ =	shalt  }
0x40: {  	_ =	shalt  }
0x41: {  	_ =	shalt  }
0x42: {  	_ =	shalt  }
0x43: {  	_ =	shalt  }
0x44: {  	_ =	shalt  }
0x45: {  	_ =	shalt  }
0x46: {  	_ =	shalt  }
0x47: {  	_ =	shalt  }
0x48: {  	_ =	shalt  }
0x49: {  	_ =	shalt  }
0x4a: {  	_ =	shalt  }
0x4b: {  	_ =	shalt  }
0x4c: {  	_ =	shalt  }
0x4d: {  	_ =	shalt  }
0x4e: {  	_ =	shalt  }
0x4f: {  	_ =	shalt  }
0x50: {  	_ =	shalt  }
0x51: {  	_ =	shalt  }
0x52: {  	_ =	shalt  }
0x53: {  	_ =	shalt  }
0x54: {  	_ =	shalt  }
0x55: {  	_ =	shalt  }
0x56: {  	_ =	shalt  }
0x57: {  	_ =	shalt  }
0x58: {  	_ =	shalt  }
0x59: {  	_ =	shalt  }
0x5a: {  	_ =	shalt  }
0x5b: {  	_ =	shalt  }
0x5c: {  	_ =	shalt  }
0x5d: {  	_ =	shalt  }
0x5e: {  	_ =	shalt  }
0x5f: {  	_ =	shalt  }
0x60: {  	_ =	shalt  }
0x61: {  	_ =	shalt  }
0x62: {  	_ =	shalt  }
0x63: {  	_ =	shalt  }
0x64: {  	_ =	shalt  }
0x65: {  	_ =	shalt  }
0x66: {  	_ =	shalt  }
0x67: {  	_ =	shalt  }
0x68: {  	_ =	shalt  }
0x69: {  	_ =	shalt  }
0x6a: {  	_ =	shalt  }
0x6b: {  	_ =	shalt  }
0x6c: {  	_ =	shalt  }
0x6d: {  	_ =	shalt  }
0x6e: {  	_ =	shalt  }
0x6f: {  	_ =	shalt  }
0x70: {  	_ =	shalt  }
0x71: {  	_ =	shalt  }
0x72: {  	_ =	shalt  }
0x73: {  	_ =	shalt  }
0x74: {  	_ =	shalt  }
0x75: {  	_ =	shalt  }
0x76: {  	_ =	shalt  }
0x77: {  	_ =	shalt  }
0x78: {  	_ =	shalt  }
0x79: {  	_ =	shalt  }
0x7a: {  	_ =	shalt  }
0x7b: {  	_ =	shalt  }
0x7c: {  	_ =	shalt  }
0x7d: {  	_ =	shalt  }
0x7e: {  	_ =	shalt  }
0x7f: {  	_ =	shalt  }
0x80: {  	_ =	shalt  }
0x81: {  	_ =	shalt  }
0x82: {  	_ =	shalt  }
0x83: {  	_ =	shalt  }
0x84: {  	_ =	shalt  }
0x85: {  	_ =	shalt  }
0x86: {  	_ =	shalt  }
0x87: {  	_ =	shalt  }
.Lfunc_end0:
.L_simem_size_0:
called_computation_lowered:
.L_overlay_start_0:
0x88: {  	s2 =	sld [smem:$0x3FD9]  }
0x89: {  	s3 =	sld [smem:$0x3FFE];
	_ =	sdelay $0x1  }
0x8a: {  	s1 =	srdreg.scid  }
0x8b: {  	s0 =	sand.u32 $0x1, s1  }
0x8c: {  	s14 =	sshll.u32 s0, $0xA;
	s2 =	sadd.s32 s3, s2  }
0x8d: {  	s2 =	sadd.s32 s2, s14  }
0x8e: {  	[smem:$0x3FC4] =	sst s2  }
0x8f: {  	_ = 	snop  }
0x90: {  	s2 =	sld [smem:$0x3FD0];
	_ =	sdelay $0x2  }
0x91: {  	s15 =	simm.s32 $0xA;
	s4 =	simm.s32 $0x10  }
0x92: {  	[smem:s4], [sflag:s15] =	dma.local [hbm:s2], $0x1  }
0x93: {  	_ =	swait.eq [sflag:s15], $0x1  }
0x94: {  	[sflag:s15] =	ssyncset.done $0x0  }
0x95: {  	[sflag:s15] =	ssyncadd.s32 $0xFFFFFFFF  }
0x96: {  	s16 =	sld [smem:$0x10];
	(tm) =	ssettm $0x1  }
0x97: {  	s17 =	sld [smem:$0x3FFB];
	_ =	sdelay $0x3  }
0x98: {  	_ =	strace s17  }
0x99: {  	s3 =	sld [smem:$0x3FFC];
	_ =	sdelay $0x3  }
0x9a: {  	_ =	strace s3  }
0x9b: {  	s3 =	sld [smem:$0x3FFD];
	_ =	sdelay $0x3  }
0x9c: {  	_ =	strace s3  }
0x9d: {  	_ =	strace $0x8FFFFFFF  }
0x9e: {  	s18 =	sld [smem:$0x3FDB];
	_ =	sdelay $0x1  }
0x9f: {  	s19 =	simm.s32 $_scs_section_size  }
0xa0: {  	s5 =	simm.s32 $_size__tile_overlayer_lowered;
	s6 =	simm.s32 $_tile_overlayer_lowered  }
0xa1: {  	s22 =	simm.s32 $0x1BFF;
	s21 =	sshll.u32 s6, $0x1;
	s3 =	sadd.s32 s19, s18  }
0xa2: {  	s7 =	simm.s32 $0x0;
	s20 =	sshll.u32 s5, $0x1;
	s5 =	sadd.s32 s21, s3  }
0xa3: {  	[timem:s7], [sflag:s22] =	dma.local [hbm:s5], s20  }
0xa4: {  	_ =	swait.ge [sflag:s22], s20  }
0xa5: {  	s4 =	ssub.s32 $0x0, s20;
	[sflag:s22] =	ssyncset.done $0x0  }
0xa6: {  	[sflag:s22] =	ssyncadd.s32 s4;
	_ =	sdelay $0x1  }
0xa7: {  	s23 =	simm.s32 $0x1B8B  }
0xa8: {  	_ =	swait.ge [sflag:s23], $0x1  }
0xa9: {  	[sflag:s23] =	ssyncset.done $0x0  }
0xaa: {  	s25 =	simm.s32 $0x1B8E;
	s24 =	sld [smem:$0x3FFE];
	[sflag:s23] =	ssyncadd.s32 $0xFFFFFFFF  }
0xab: {  	s26 =	simm.s32 $execute0_lowered;
	[smem:$0x3FD2] =	sst s25  }
0xac: {  	s5 =	sshll.u32 s26, $0x1;
	_ =	strace $0x80000046;
	[dreg:$0x1] =	wrdreg $0xFFFFFFFF  }
0xad: {  	s28 =	simm.s32 $_size_execute0_lowered;
	s3 =	sadd.s32 s3, s5;
	[dreg:$0x0] =	wrdreg $0x0  }
0xae: {  	s5 =	sshll.u32 s28, $0x1;
	[dreg:$0x2] =	wrdreg s3  }
0xaf: {  	[dreg:$0x3] =	wrdreg s5  }
0xb0: {  	[dreg:$0x4] =	wrdreg $0xC0  }
0xb1: {  	_ =	task [dreg:s7], $0x5FFFF  }
0xb2: {  	[dreg:$0x1] =	wrdreg $0xFFFFFFFF  }
0xb3: {  	[dreg:$0x0] =	wrdreg $0x60  }
0xb4: {  	[dreg:$0x2] =	wrdreg s24  }
0xb5: {  	[dreg:$0x3] =	wrdreg s16  }
0xb6: {  	[dreg:$0x4] =	wrdreg $0x9  }
0xb7: {  	_ =	task.clear_ibuf [dreg:s7], $0x5FFFF;
	_ =	strace $0x90000046  }
0xb8: {  	s29 =	simm.s32 $0x9;
	_ =	strace $0x80000048  }
0xb9: {  	_ =	swait.ge [sflag:s29], $0x1  }
0xba: {  	[sflag:s29] =	ssyncadd.s32 $0xFFFFFFFF  }
0xbb: {  	_ =	strace $0x90000048  }
0xbc: {  	_ =	sfence  }
0xbd: {  	s30 =	sld [smem:$0x0];
	_ =	sdelay $0x2  }
0xbe: {  	s31 =	sshll.u32 s1, $0xD;
	s1 =	sshrl.u32 s1, $0x2  }
0xbf: {  	s3 =	sand.u32 $0x4000, s31;
	s1 =	sadd.s32 s1, s30  }
0xc0: {  	s0 =	sor.u32 s3, s0;
	s1 =	sshll.u32 s1, $0x11  }
0xc1: {  	s0 =	sor.u32 s1, s0  }
0xc2: {  	s0 =	sadd.s32 $0x8F2B, s0  }
0xc3: {  	[sflag:s0] =	ssyncadd.remote.s32 $0x1  }
0xc4: {  	_ =	sfence.sel $0xFFFF  }
0xc5: {  	[dreg:$0x0] =	wrdreg $0xFFFFFFFF;
	(pc) =	sbr.abs _section_cstart, $3  }
0xc6: {  	[dreg:$0x1] =	wrdreg $0xFFFFFFFF  }
0xc7: {  	_ =	task.clear_ibuf [dreg:s7], $0x2FFFF;
	_ =	strace $0x9FFFFFFF  }
0xc8: {  	(tm) =	ssettm $0x7FFFFFFF  }
0xc9: {  	_ =	shalt  }
tec
execute0_lowered:
.L_overlay_start_1:
0x0: {  	(tag) =	ssettag $0x1  }
0x1: {  	s0 =	srdreg.scid  }
0x2: {  	s11 =	stileid.u32;
	s4 =	rddreg [dreg:$0x0];
	s1 =	sand.u32 $0x1, s0  }
0x3: {  	s6 =	rddreg [dreg:$0x1];
	s13 =	simm.s32 $0x80;
	s2 =	sshll.u32 s1, $0x4  }
0x4: {  	s14 =	simm.s32 $0x100;
	s3 =	sor.u32 s11, s2;
	s2 =	simm.s32 $0x0  }
0x5: {  	s15 =	simm.s32 $0x980;
	s16 =	simm.s32 $0x1180;
	[smem:$0x7FF] =	sst s2  }
0x6: {  	s17 =	simm.s32 $0x1980;
	_ =	strace $0x80000047;
	[dreg:$0x7] =	wrdreg s13  }
0x7: {  	s18 =	simm.s32 $0x2180;
	s19 =	simm.s32 $0x2980;
	[dreg:$0x8] =	wrdreg s14  }
0x8: {  	s20 =	simm.s32 $0x3180;
	s21 =	simm.s32 $0x3980;
	[dreg:$0x9] =	wrdreg s15  }
0x9: {  	s23 =	simm.s32 $0x4180;
	s24 =	simm.s32 $0x4980;
	[dreg:$0xa] =	wrdreg s16  }
0xa: {  	s25 =	simm.s32 $0x5180;
	s26 =	simm.s32 $0x5980;
	[dreg:$0xb] =	wrdreg s17  }
0xb: {  	s8 =	simm.s32 $0x6980;
	s9 =	simm.s32 $0x7180;
	[dreg:$0xc] =	wrdreg s18  }
0xc: {  	s10 =	simm.s32 $0x7980;
	s28 =	simm.s32 $0x10180;
	[dreg:$0xd] =	wrdreg s19  }
0xd: {  	s29 =	simm.s32 $0x10980;
	s30 =	simm.s32 $0x11180;
	[dreg:$0xe] =	wrdreg s20  }
0xe: {  	s31 =	simm.s32 $0x11980;
	s1 =	ssub.s32 $0x2, s1;
	[dreg:$0xf] =	wrdreg s21  }
0xf: {  	s22 =	sshrl.u32 s1, $0x1;
	s5 =	smul.u32 $0x120, s3;
	[dreg:$0x10] =	wrdreg s23  }
0x10: {  	s11 =	simm.s32 $0x8180;
	s3 =	smul.u32 $0x2400, s3;
	[dreg:$0x11] =	wrdreg s24  }
0x11: {  	s1 =	ssub.s32 s1, s22;
	s22 =	simm.s32 $0xD980;
	[dreg:$0x12] =	wrdreg s25  }
0x12: {  	[dreg:$0x13] =	wrdreg s26;
	s13 =	simm.s32 $0x9180;
	s14 =	simm.s32 $0x9980  }
0x13: {  	s15 =	simm.s32 $0xA180;
	s16 =	simm.s32 $0xA980;
	s17 =	simm.s32 $0xB180  }
0x14: {  	s18 =	simm.s32 $0xB980;
	s19 =	simm.s32 $0xC180;
	s20 =	simm.s32 $0xC980  }
0x15: {  	s21 =	simm.s32 $0xD180;
	s23 =	simm.s32 $0xE180;
	s24 =	simm.s32 $0xE980  }
0x16: {  	s25 =	simm.s32 $0xF180;
	s26 =	simm.s32 $0xF980;
	s5 =	sshrl.u32 s5, $0x3  }
0x17: {  	s3 =	sadd.s32 s6, s3;
	s6 =	simm.s32 $0x180;
	s5 =	sadd.s32 s5, s4  }
0x18: {  	[dreg:$0x6] =	wrdreg s3;
	s3 =	sadd.s32 $0xC00, s4;
	s7 =	sadd.s32 $0x40C00, s5  }
0x19: {  	v2 =	vlaneseq.u32;
	s4 =	smax.u32 s1, $0x1;
	s12 =	sadd.s32 $0x40C0C, s5;
	[dreg:$0x3] =	wrdreg s7  }
0x1a: {  	vm0 =	vmmov $0xffff;
	v1 =	vshrl.u32 v2, $0x3;
	s1 =	simm.s32 $0x1;
	s5 =	sadd.s32 $0x40C18, s5;
	[dreg:$0x4] =	wrdreg s12  }
0x1b: {  	v0 =	vand.u32 $0x7, v2;
	v2 =	vor.u32 $0x8, v2;
	v1 =	vmul.u32 $0x8, v1;
	[dreg:$0x5] =	wrdreg s5;
	s5 =	simm.s32 $0x2;
	s12 =	simm.s32 $0x8980  }
.LBB2_1:
0x1c: {  	s0 =	rddreg [dreg:$0x3]  }
0x1d: {  	[tilespmem:s2], [sflag:$0x2] =	stream.linear.gather [hbm4b:s0+s2], $0x60, $0x38;
	[tilespmem:$0x12180] =	vst v63  }
0x1e: {  	_ =	swait.ge [sflag:s5], $0x60  }
0x1f: {  	s0 =	rddreg [dreg:$0x4];
	[sflag:s5] =	ssyncset.done $0x0  }
0x20: {  	s7 =	rddreg [dreg:$0x7];
	[sflag:s5] =	ssyncadd.s32 $0xFFFFFFA0  }
0x21: {  	[tilespmem:s7], [sflag:$0x2] =	stream.linear.gather [hbm4b:s0+s2], $0x60, $0x38;
	[tilespmem:$0x12180] =	vst v63  }
0x22: {  	_ =	swait.ge [sflag:s5], $0x60  }
0x23: {  	s0 =	rddreg [dreg:$0x5];
	[sflag:s5] =	ssyncset.done $0x0  }
0x24: {  	s7 =	rddreg [dreg:$0x8];
	[sflag:s5] =	ssyncadd.s32 $0xFFFFFFA0  }
0x25: {  	[tilespmem:s7], [sflag:$0x2] =	stream.linear.gather [hbm4b:s0+s2], $0x60, $0x38;
	[tilespmem:$0x12180] =	vst v63  }
0x26: {  	_ =	swait.ge [sflag:s5], $0x60  }
0x27: {  	[sflag:s5] =	ssyncset.done $0x0  }
0x28: {  	[sflag:s5] =	ssyncadd.s32 $0xFFFFFFA0  }
0x29: {  	v3 =	vld [tilespmem:$0x0];
	_ =	sdelay $0x4  }
0x2a: {  	v4 =	vshll.u32 v3, $0x1  }
0x2b: {  	v3 =	vand.u32 $0x7, v3;
	v4 =	vand.u32 $0xFFFFFFF0, v4  }
0x2c: {  	v3 =	vor.u32 v3, v4  }
0x2d: {  	v4 =	vperm.xlane v3, v0;
	_ =	sdelay $0x1  }
0x2e: {  	v3 =	vperm.xlane v3, v2;
	v4 =	vadd.s32 v1, v4;
	_ =	sdelay $0x1  }
0x2f: {  	v3 =	vadd.s32 v1, v3;
	_ =	sdelay $0x2  }
0x30: {  	[tilespmem:s6], [sflag:$0x1] =	stream.indirect_vreg.gather [hbm4b:s3+s2], $0x80, v4, vm0, $0xb8;
	[tilespmem:$0x12180] =	vst v63  }
0x31: {  	s7 =	rddreg [dreg:$0x9]  }
0x32: {  	[tilespmem:s7], [sflag:$0x1] =	stream.indirect_vreg.gather [hbm4b:s3+s2], $0x80, v3, vm0, $0xb8;
	[tilespmem:$0x12180] =	vst v63  }
0x33: {  	v3 =	vld [tilespmem:$0x10];
	_ =	sdelay $0x4  }
0x34: {  	v47 =	vshll.u32 v3, $0x1  }
0x35: {  	v3 =	vand.u32 $0x7, v3;
	v4 =	vand.u32 $0xFFFFFFF0, v47  }
0x36: {  	v3 =	vor.u32 v3, v4  }
0x37: {  	v4 =	vperm.xlane v3, v0;
	_ =	sdelay $0x1  }
0x38: {  	v3 =	vperm.xlane v3, v2;
	v4 =	vadd.s32 v1, v4;
	_ =	sdelay $0x1  }
0x39: {  	v3 =	vadd.s32 v1, v3;
	_ =	sdelay $0x1  }
0x3a: {  	s0 =	rddreg [dreg:$0xa]  }
0x3b: {  	[tilespmem:s0], [sflag:$0x1] =	stream.indirect_vreg.gather [hbm4b:s3+s2], $0x80, v4, vm0, $0xb8;
	[tilespmem:$0x12180] =	vst v63  }
0x3c: {  	s7 =	rddreg [dreg:$0xb]  }
0x3d: {  	[tilespmem:s7], [sflag:$0x1] =	stream.indirect_vreg.gather [hbm4b:s3+s2], $0x80, v3, vm0, $0xb8;
	[tilespmem:$0x12180] =	vst v63  }
0x3e: {  	v3 =	vld [tilespmem:$0x20];
	_ =	sdelay $0x4  }
0x3f: {  	v48 =	vshll.u32 v3, $0x1  }
0x40: {  	v3 =	vand.u32 $0x7, v3;
	v4 =	vand.u32 $0xFFFFFFF0, v48  }
0x41: {  	v3 =	vor.u32 v3, v4  }
0x42: {  	v4 =	vperm.xlane v3, v0;
	_ =	sdelay $0x1  }
0x43: {  	v3 =	vperm.xlane v3, v2;
	v4 =	vadd.s32 v1, v4;
	_ =	sdelay $0x1  }
0x44: {  	v3 =	vadd.s32 v1, v3;
	_ =	sdelay $0x1  }
0x45: {  	s0 =	rddreg [dreg:$0xc]  }
0x46: {  	[tilespmem:s0], [sflag:$0x1] =	stream.indirect_vreg.gather [hbm4b:s3+s2], $0x80, v4, vm0, $0xb8;
	[tilespmem:$0x12180] =	vst v63  }
0x47: {  	s7 =	rddreg [dreg:$0xd]  }
0x48: {  	[tilespmem:s7], [sflag:$0x1] =	stream.indirect_vreg.gather [hbm4b:s3+s2], $0x80, v3, vm0, $0xb8;
	[tilespmem:$0x12180] =	vst v63  }
0x49: {  	v3 =	vld [tilespmem:$0x30];
	_ =	sdelay $0x4  }
0x4a: {  	v49 =	vshll.u32 v3, $0x1  }
0x4b: {  	v3 =	vand.u32 $0x7, v3;
	v4 =	vand.u32 $0xFFFFFFF0, v49  }
0x4c: {  	v3 =	vor.u32 v3, v4  }
0x4d: {  	v4 =	vperm.xlane v3, v0;
	_ =	sdelay $0x1  }
0x4e: {  	v3 =	vperm.xlane v3, v2;
	v4 =	vadd.s32 v1, v4;
	_ =	sdelay $0x1  }
0x4f: {  	v3 =	vadd.s32 v1, v3;
	_ =	sdelay $0x1  }
0x50: {  	s0 =	rddreg [dreg:$0xe]  }
0x51: {  	[tilespmem:s0], [sflag:$0x1] =	stream.indirect_vreg.gather [hbm4b:s3+s2], $0x80, v4, vm0, $0xb8;
	[tilespmem:$0x12180] =	vst v63  }
0x52: {  	s7 =	rddreg [dreg:$0xf]  }
0x53: {  	[tilespmem:s7], [sflag:$0x1] =	stream.indirect_vreg.gather [hbm4b:s3+s2], $0x80, v3, vm0, $0xb8;
	[tilespmem:$0x12180] =	vst v63  }
0x54: {  	v3 =	vld [tilespmem:$0x40];
	_ =	sdelay $0x4  }
0x55: {  	v50 =	vshll.u32 v3, $0x1  }
0x56: {  	v3 =	vand.u32 $0x7, v3;
	v4 =	vand.u32 $0xFFFFFFF0, v50  }
0x57: {  	v3 =	vor.u32 v3, v4  }
0x58: {  	v4 =	vperm.xlane v3, v0;
	_ =	sdelay $0x1  }
0x59: {  	v3 =	vperm.xlane v3, v2;
	v4 =	vadd.s32 v1, v4;
	_ =	sdelay $0x1  }
0x5a: {  	v3 =	vadd.s32 v1, v3;
	_ =	sdelay $0x1  }
0x5b: {  	s0 =	rddreg [dreg:$0x10]  }
0x5c: {  	[tilespmem:s0], [sflag:$0x1] =	stream.indirect_vreg.gather [hbm4b:s3+s2], $0x80, v4, vm0, $0xb8;
	[tilespmem:$0x12180] =	vst v63  }
0x5d: {  	s7 =	rddreg [dreg:$0x11]  }
0x5e: {  	[tilespmem:s7], [sflag:$0x1] =	stream.indirect_vreg.gather [hbm4b:s3+s2], $0x80, v3, vm0, $0xb8;
	[tilespmem:$0x12180] =	vst v63  }
0x5f: {  	v3 =	vld [tilespmem:$0x50];
	_ =	sdelay $0x4  }
0x60: {  	v51 =	vshll.u32 v3, $0x1  }
0x61: {  	v3 =	vand.u32 $0x7, v3;
	v4 =	vand.u32 $0xFFFFFFF0, v51  }
0x62: {  	v3 =	vor.u32 v3, v4  }
0x63: {  	v4 =	vperm.xlane v3, v0;
	_ =	sdelay $0x1  }
0x64: {  	v3 =	vperm.xlane v3, v2;
	v4 =	vadd.s32 v1, v4;
	_ =	sdelay $0x1  }
0x65: {  	v3 =	vadd.s32 v1, v3;
	_ =	sdelay $0x1  }
0x66: {  	s0 =	rddreg [dreg:$0x12]  }
0x67: {  	[tilespmem:s0], [sflag:$0x1] =	stream.indirect_vreg.gather [hbm4b:s3+s2], $0x80, v4, vm0, $0xb8;
	[tilespmem:$0x12180] =	vst v63  }
0x68: {  	s7 =	rddreg [dreg:$0x13]  }
0x69: {  	[tilespmem:s7], [sflag:$0x1] =	stream.indirect_vreg.gather [hbm4b:s3+s2], $0x80, v3, vm0, $0xb8;
	[tilespmem:$0x12180] =	vst v63  }
0x6a: {  	v3 =	vld [tilespmem:$0x80];
	_ =	sdelay $0x4  }
0x6b: {  	v52 =	vshll.u32 v3, $0x1  }
0x6c: {  	v3 =	vand.u32 $0x7, v3;
	v4 =	vand.u32 $0xFFFFFFF0, v52  }
0x6d: {  	v3 =	vor.u32 v3, v4  }
0x6e: {  	v4 =	vperm.xlane v3, v0;
	_ =	sdelay $0x1  }
0x6f: {  	v3 =	vperm.xlane v3, v2;
	v4 =	vadd.s32 v1, v4;
	_ =	sdelay $0x1  }
0x70: {  	v3 =	vadd.s32 v1, v3;
	_ =	sdelay $0x1  }
0x71: {  	s7 =	simm.s32 $0x6180  }
0x72: {  	[tilespmem:s7], [sflag:$0x1] =	stream.indirect_vreg.gather [hbm4b:s3+s2], $0x80, v4, vm0, $0xb8;
	[tilespmem:$0x12180] =	vst v63  }
0x73: {  	_ = 	snop  }
0x74: {  	[tilespmem:s8], [sflag:$0x1] =	stream.indirect_vreg.gather [hbm4b:s3+s2], $0x80, v3, vm0, $0xb8;
	[tilespmem:$0x12180] =	vst v63  }
0x75: {  	v3 =	vld [tilespmem:$0x90];
	_ =	sdelay $0x4  }
0x76: {  	v53 =	vshll.u32 v3, $0x1  }
0x77: {  	v3 =	vand.u32 $0x7, v3;
	v4 =	vand.u32 $0xFFFFFFF0, v53  }
0x78: {  	v3 =	vor.u32 v3, v4  }
0x79: {  	v4 =	vperm.xlane v3, v0;
	_ =	sdelay $0x1  }
0x7a: {  	v3 =	vperm.xlane v3, v2;
	v4 =	vadd.s32 v1, v4;
	_ =	sdelay $0x1  }
0x7b: {  	v3 =	vadd.s32 v1, v3;
	_ =	sdelay $0x2  }
0x7c: {  	[tilespmem:s9], [sflag:$0x1] =	stream.indirect_vreg.gather [hbm4b:s3+s2], $0x80, v4, vm0, $0xb8;
	[tilespmem:$0x12180] =	vst v63  }
0x7d: {  	_ = 	snop  }
0x7e: {  	[tilespmem:s10], [sflag:$0x1] =	stream.indirect_vreg.gather [hbm4b:s3+s2], $0x80, v3, vm0, $0xb8;
	[tilespmem:$0x12180] =	vst v63  }
0x7f: {  	v3 =	vld [tilespmem:$0xA0];
	_ =	sdelay $0x4  }
0x80: {  	v54 =	vshll.u32 v3, $0x1  }
0x81: {  	v3 =	vand.u32 $0x7, v3;
	v4 =	vand.u32 $0xFFFFFFF0, v54  }
0x82: {  	v3 =	vor.u32 v3, v4  }
0x83: {  	v4 =	vperm.xlane v3, v0;
	_ =	sdelay $0x1  }
0x84: {  	v3 =	vperm.xlane v3, v2;
	v4 =	vadd.s32 v1, v4;
	_ =	sdelay $0x1  }
0x85: {  	v3 =	vadd.s32 v1, v3;
	_ =	sdelay $0x2  }
0x86: {  	[tilespmem:s11], [sflag:$0x1] =	stream.indirect_vreg.gather [hbm4b:s3+s2], $0x80, v4, vm0, $0xb8;
	[tilespmem:$0x12180] =	vst v63  }
0x87: {  	_ = 	snop  }
0x88: {  	[tilespmem:s12], [sflag:$0x1] =	stream.indirect_vreg.gather [hbm4b:s3+s2], $0x80, v3, vm0, $0xb8;
	[tilespmem:$0x12180] =	vst v63  }
0x89: {  	v3 =	vld [tilespmem:$0xB0];
	_ =	sdelay $0x4  }
0x8a: {  	v55 =	vshll.u32 v3, $0x1  }
0x8b: {  	v3 =	vand.u32 $0x7, v3;
	v4 =	vand.u32 $0xFFFFFFF0, v55  }
0x8c: {  	v3 =	vor.u32 v3, v4  }
0x8d: {  	v4 =	vperm.xlane v3, v0;
	_ =	sdelay $0x1  }
0x8e: {  	v3 =	vperm.xlane v3, v2;
	v4 =	vadd.s32 v1, v4;
	_ =	sdelay $0x1  }
0x8f: {  	v3 =	vadd.s32 v1, v3;
	_ =	sdelay $0x2  }
0x90: {  	[tilespmem:s13], [sflag:$0x1] =	stream.indirect_vreg.gather [hbm4b:s3+s2], $0x80, v4, vm0, $0xb8;
	[tilespmem:$0x12180] =	vst v63  }
0x91: {  	_ = 	snop  }
0x92: {  	[tilespmem:s14], [sflag:$0x1] =	stream.indirect_vreg.gather [hbm4b:s3+s2], $0x80, v3, vm0, $0xb8;
	[tilespmem:$0x12180] =	vst v63  }
0x93: {  	v3 =	vld [tilespmem:$0xC0];
	_ =	sdelay $0x4  }
0x94: {  	v56 =	vshll.u32 v3, $0x1  }
0x95: {  	v3 =	vand.u32 $0x7, v3;
	v4 =	vand.u32 $0xFFFFFFF0, v56  }
0x96: {  	v3 =	vor.u32 v3, v4  }
0x97: {  	v4 =	vperm.xlane v3, v0;
	_ =	sdelay $0x1  }
0x98: {  	v3 =	vperm.xlane v3, v2;
	v4 =	vadd.s32 v1, v4;
	_ =	sdelay $0x1  }
0x99: {  	v3 =	vadd.s32 v1, v3;
	_ =	sdelay $0x2  }
0x9a: {  	[tilespmem:s15], [sflag:$0x1] =	stream.indirect_vreg.gather [hbm4b:s3+s2], $0x80, v4, vm0, $0xb8;
	[tilespmem:$0x12180] =	vst v63  }
0x9b: {  	_ = 	snop  }
0x9c: {  	[tilespmem:s16], [sflag:$0x1] =	stream.indirect_vreg.gather [hbm4b:s3+s2], $0x80, v3, vm0, $0xb8;
	[tilespmem:$0x12180] =	vst v63  }
0x9d: {  	v3 =	vld [tilespmem:$0xD0];
	_ =	sdelay $0x4  }
0x9e: {  	v57 =	vshll.u32 v3, $0x1  }
0x9f: {  	v3 =	vand.u32 $0x7, v3;
	v4 =	vand.u32 $0xFFFFFFF0, v57  }
0xa0: {  	v3 =	vor.u32 v3, v4  }
0xa1: {  	v4 =	vperm.xlane v3, v0;
	_ =	sdelay $0x1  }
0xa2: {  	v3 =	vperm.xlane v3, v2;
	v4 =	vadd.s32 v1, v4;
	_ =	sdelay $0x1  }
0xa3: {  	v3 =	vadd.s32 v1, v3;
	_ =	sdelay $0x2  }
0xa4: {  	[tilespmem:s17], [sflag:$0x1] =	stream.indirect_vreg.gather [hbm4b:s3+s2], $0x80, v4, vm0, $0xb8;
	[tilespmem:$0x12180] =	vst v63  }
0xa5: {  	_ = 	snop  }
0xa6: {  	[tilespmem:s18], [sflag:$0x1] =	stream.indirect_vreg.gather [hbm4b:s3+s2], $0x80, v3, vm0, $0xb8;
	[tilespmem:$0x12180] =	vst v63  }
0xa7: {  	v3 =	vld [tilespmem:$0x100];
	_ =	sdelay $0x4  }
0xa8: {  	v58 =	vshll.u32 v3, $0x1  }
0xa9: {  	v3 =	vand.u32 $0x7, v3;
	v4 =	vand.u32 $0xFFFFFFF0, v58  }
0xaa: {  	v3 =	vor.u32 v3, v4  }
0xab: {  	v4 =	vperm.xlane v3, v0;
	_ =	sdelay $0x1  }
0xac: {  	v3 =	vperm.xlane v3, v2;
	v4 =	vadd.s32 v1, v4;
	_ =	sdelay $0x1  }
0xad: {  	v3 =	vadd.s32 v1, v3;
	_ =	sdelay $0x2  }
0xae: {  	[tilespmem:s19], [sflag:$0x1] =	stream.indirect_vreg.gather [hbm4b:s3+s2], $0x80, v4, vm0, $0xb8;
	[tilespmem:$0x12180] =	vst v63  }
0xaf: {  	_ = 	snop  }
0xb0: {  	[tilespmem:s20], [sflag:$0x1] =	stream.indirect_vreg.gather [hbm4b:s3+s2], $0x80, v3, vm0, $0xb8;
	[tilespmem:$0x12180] =	vst v63  }
0xb1: {  	v3 =	vld [tilespmem:$0x110];
	_ =	sdelay $0x4  }
0xb2: {  	v59 =	vshll.u32 v3, $0x1  }
0xb3: {  	v3 =	vand.u32 $0x7, v3;
	v4 =	vand.u32 $0xFFFFFFF0, v59  }
0xb4: {  	v3 =	vor.u32 v3, v4  }
0xb5: {  	v4 =	vperm.xlane v3, v0;
	_ =	sdelay $0x1  }
0xb6: {  	v3 =	vperm.xlane v3, v2;
	v4 =	vadd.s32 v1, v4;
	_ =	sdelay $0x1  }
0xb7: {  	v3 =	vadd.s32 v1, v3;
	_ =	sdelay $0x2  }
0xb8: {  	[tilespmem:s21], [sflag:$0x1] =	stream.indirect_vreg.gather [hbm4b:s3+s2], $0x80, v4, vm0, $0xb8;
	[tilespmem:$0x12180] =	vst v63  }
0xb9: {  	_ = 	snop  }
0xba: {  	[tilespmem:s22], [sflag:$0x1] =	stream.indirect_vreg.gather [hbm4b:s3+s2], $0x80, v3, vm0, $0xb8;
	[tilespmem:$0x12180] =	vst v63  }
0xbb: {  	v3 =	vld [tilespmem:$0x120];
	_ =	sdelay $0x4  }
0xbc: {  	v60 =	vshll.u32 v3, $0x1  }
0xbd: {  	v3 =	vand.u32 $0x7, v3;
	v4 =	vand.u32 $0xFFFFFFF0, v60  }
0xbe: {  	v3 =	vor.u32 v3, v4  }
0xbf: {  	v4 =	vperm.xlane v3, v0;
	_ =	sdelay $0x1  }
0xc0: {  	v3 =	vperm.xlane v3, v2;
	v4 =	vadd.s32 v1, v4;
	_ =	sdelay $0x1  }
0xc1: {  	v3 =	vadd.s32 v1, v3;
	_ =	sdelay $0x2  }
0xc2: {  	[tilespmem:s23], [sflag:$0x1] =	stream.indirect_vreg.gather [hbm4b:s3+s2], $0x80, v4, vm0, $0xb8;
	[tilespmem:$0x12180] =	vst v63  }
0xc3: {  	_ = 	snop  }
0xc4: {  	[tilespmem:s24], [sflag:$0x1] =	stream.indirect_vreg.gather [hbm4b:s3+s2], $0x80, v3, vm0, $0xb8;
	[tilespmem:$0x12180] =	vst v63  }
0xc5: {  	v3 =	vld [tilespmem:$0x130];
	_ =	sdelay $0x4  }
0xc6: {  	v61 =	vshll.u32 v3, $0x1  }
0xc7: {  	v3 =	vand.u32 $0x7, v3;
	v4 =	vand.u32 $0xFFFFFFF0, v61  }
0xc8: {  	v3 =	vor.u32 v3, v4  }
0xc9: {  	v4 =	vperm.xlane v3, v0;
	_ =	sdelay $0x1  }
0xca: {  	v3 =	vperm.xlane v3, v2;
	v4 =	vadd.s32 v1, v4;
	_ =	sdelay $0x1  }
0xcb: {  	v3 =	vadd.s32 v1, v3;
	_ =	sdelay $0x2  }
0xcc: {  	[tilespmem:s25], [sflag:$0x1] =	stream.indirect_vreg.gather [hbm4b:s3+s2], $0x80, v4, vm0, $0xb8;
	[tilespmem:$0x12180] =	vst v63  }
0xcd: {  	_ = 	snop  }
0xce: {  	[tilespmem:s26], [sflag:$0x1] =	stream.indirect_vreg.gather [hbm4b:s3+s2], $0x80, v3, vm0, $0xb8;
	[tilespmem:$0x12180] =	vst v63  }
0xcf: {  	v3 =	vld [tilespmem:$0x140];
	_ =	sdelay $0x4  }
0xd0: {  	v62 =	vshll.u32 v3, $0x1  }
0xd1: {  	v3 =	vand.u32 $0x7, v3;
	v4 =	vand.u32 $0xFFFFFFF0, v62  }
0xd2: {  	v3 =	vor.u32 v3, v4  }
0xd3: {  	v4 =	vperm.xlane v3, v0;
	_ =	sdelay $0x1  }
0xd4: {  	v3 =	vperm.xlane v3, v2;
	v4 =	vadd.s32 v1, v4;
	_ =	sdelay $0x1  }
0xd5: {  	v3 =	vadd.s32 v1, v3;
	_ =	sdelay $0x2  }
0xd6: {  	[tilespmem:s28], [sflag:$0x1] =	stream.indirect_vreg.gather [hbm4b:s3+s2], $0x80, v4, vm0, $0xb8;
	[tilespmem:$0x12180] =	vst v63  }
0xd7: {  	_ = 	snop  }
0xd8: {  	[tilespmem:s29], [sflag:$0x1] =	stream.indirect_vreg.gather [hbm4b:s3+s2], $0x80, v3, vm0, $0xb8;
	[tilespmem:$0x12180] =	vst v63  }
0xd9: {  	v3 =	vld [tilespmem:$0x150];
	_ =	sdelay $0x4  }
0xda: {  	v63 =	vshll.u32 v3, $0x1  }
0xdb: {  	v3 =	vand.u32 $0x7, v3;
	v4 =	vand.u32 $0xFFFFFFF0, v63  }
0xdc: {  	v3 =	vor.u32 v3, v4  }
0xdd: {  	v4 =	vperm.xlane v3, v0;
	_ =	sdelay $0x1  }
0xde: {  	v3 =	vperm.xlane v3, v2;
	v4 =	vadd.s32 v1, v4;
	_ =	sdelay $0x1  }
0xdf: {  	v3 =	vadd.s32 v1, v3;
	_ =	sdelay $0x2  }
0xe0: {  	[tilespmem:s30], [sflag:$0x1] =	stream.indirect_vreg.gather [hbm4b:s3+s2], $0x80, v4, vm0, $0xb8;
	[tilespmem:$0x12180] =	vst v63  }
0xe1: {  	_ = 	snop  }
0xe2: {  	[tilespmem:s31], [sflag:$0x1] =	stream.indirect_vreg.gather [hbm4b:s3+s2], $0x80, v3, vm0, $0xb8;
	[tilespmem:$0x12180] =	vst v63  }
0xe3: {  	_ =	swait.ge [sflag:s1], $0x6000  }
0xe4: {  	[sflag:s1] =	ssyncset.done $0x0  }
0xe5: {  	[sflag:s1] =	ssyncadd.s32 $0xFFFFA000  }
0xe6: {  	_ =	swait.ge [sflag:s1], $0x6000  }
0xe7: {  	[sflag:s1] =	ssyncset.done $0x0  }
0xe8: {  	[sflag:s1] =	ssyncadd.s32 $0xFFFFA000  }
0xe9: {  	_ =	swait.ge [sflag:s1], $0x6000  }
0xea: {  	p0 =	sne.s32 s4, $0x1;
	[sflag:s1] =	ssyncset.done $0x0  }
.Ltmp0:
0xeb: {  	s7 =	rddreg [dreg:$0x6];
	[sflag:s1] =	ssyncadd.s32 $0xFFFFA000;
	(pc) =	sbr.rel @p0 .LBB2_1-.Ltmp0, $4  }
0xec: {  	[hbm4b:s7+s2] =	stream.linear.scatter [tilespmem:s6], [sflag:$0x2], $0x12000, $0x38;
	[tilespmem:$0x12180] =	vst v63  }
0xed: {  	_ =	swait.ge [sflag:s5], $0x12000  }
0xee: {  	[sflag:s5] =	ssyncset.done $0x0  }
0xef: {  	s4 =	sadd.s32 $0xFFFFFFFF, s4;
	[sflag:s5] =	ssyncadd.s32 $0xFFFEE000  }
0xf0: {  	_ =	sfence.sel $0x180000  }
0xf1: {  	[bflag:$0x0] =	sbarrier.arrive $0xFFFF  }
0xf2: {  	_ =	strace $0x90000047  }
0xf3: {  	s0 =	stileid.u32;
	[bflag:$0x2] =	sbarrier.arrive $0xFFFF  }
0xf4: {  	p0 =	sne.s32 s0, $0x0;
	s0 =	rddreg [dreg:$0x2]  }
0xf5: {  	s0 =	sadd.s32 @!p0 $0x100000, s0  }
0xf6: {  	[sflag:s0] =	ssyncadd.tile.s32 @!p0 $0x1;
	_ =	shalt  }
.Lfunc_end2:
_tile_overlayer_lowered:
.L_overlay_start_2:
0xf7: {  	(tag) =	ssettag $0x2  }
0xf8: {  	s0 =	rddreg [dreg:$0x0];
	s2 =	stileid.u32  }
0xf9: {  	s1 =	rddreg [dreg:$0x1];
	p0 =	sne.s32 s2, $0x0  }
0xfa: {  	s3 =	rddreg [dreg:$0x2];
	[bflag:$0x3] =	sbarrier.arrive $0xFFFF;
	s2 =	simm.s32 @!p0 $0x1C02  }
0xfb: {  	[timem:s3], [sflag:s2] =	dma.local @!p0 [hbm:s0], s1  }
0xfc: {  	s0 =	simm.s32 @!p0 $0x2  }
0xfd: {  	_ =	swait.ge @!p0 [sflag:s0], s1  }
0xfe: {  	s1 =	ssub.s32 @!p0 $0x0, s1;
	[sflag:s0] =	ssyncset.done @!p0 $0x0  }
0xff: {  	[sflag:s0] =	ssyncadd.s32 @!p0 s1  }
0x100: {  	[bflag:$0x3] =	sbarrier.arrive $0xFFFF  }
0x101: {  	_ =	shalt  }

</sc_bundles>
